<compile_context>
chip_gen: v7x
topology: tpu7x:2x2x1
jax: 0.10.2.dev20260603
libtpu: 0.0.44.dev20260713+nightly
codegen_flags: <defaults>
</compile_context>

<pallas_src>
import functools

import jax
import jax.numpy as jnp
from jax import lax
from jax.experimental import pallas as pl
from jax.experimental.pallas import tpu as pltpu
from jax.experimental.pallas import tpu_sc as plsc


def _make_sc_gather(N, DW):
    info = plsc.get_sparse_core_info()
    NC, NS = info.num_cores, info.num_subcores
    NW = NC * NS
    assert N % NW == 0
    tok_w = N // NW
    CH = 128
    assert tok_w % (2 * CH) == 0
    n_chunks = tok_w // CH

    mesh = plsc.VectorSubcoreMesh(core_axis_name="c", subcore_axis_name="s")

    @functools.partial(
        pl.kernel,
        mesh=mesh,
        compiler_params=pltpu.CompilerParams(
            use_tc_tiling_on_sc=False, needs_layout_passes=False),
        out_type=jax.ShapeDtypeStruct((N * DW,), jnp.int32),
        scratch_types=[
            pltpu.VMEM((CH,), jnp.int32),
            pltpu.VMEM((CH,), jnp.int32),
            pltpu.VMEM((CH, DW), jnp.int32),
            pltpu.VMEM((CH, DW), jnp.int32),
            pltpu.VMEM((CH * DW,), jnp.int32),
            pltpu.VMEM((CH * DW,), jnp.int32),
            pltpu.SemaphoreType.DMA,
            pltpu.SemaphoreType.DMA,
            pltpu.SemaphoreType.DMA,
            pltpu.SemaphoreType.DMA,
            pltpu.SemaphoreType.DMA,
            pltpu.SemaphoreType.DMA,
        ],
    )
    def sc_gather(cat_h, wtab_h, out_h,
                  cat0, cat1, w0b, w1b, f0b, f1b,
                  sidx0, sidx1, srow0, srow1, sout0, sout1):
        wid = lax.axis_index("s") * NC + lax.axis_index("c")
        base = wid * tok_w
        slots = (
            (cat0, w0b, sidx0, srow0, sout0, f0b),
            (cat1, w1b, sidx1, srow1, sout1, f1b),
        )

        def issue_idx(g, sl):
            cat_v, sidx = sl[0], sl[2]
            tok0 = base + g * CH
            pltpu.async_copy(cat_h.at[pl.ds(tok0, CH)], cat_v, sidx)

        def wait_idx(sl):
            cat_v, sidx = sl[0], sl[2]
            pltpu.make_async_copy(cat_h.at[pl.ds(base, CH)], cat_v, sidx).wait()

        def issue_gather(sl):
            cat_v, w_v, srow = sl[0], sl[1], sl[3]
            pltpu.async_copy(wtab_h.at[cat_v], w_v, srow)

        def wait_gather(sl):
            cat_v, w_v, srow = sl[0], sl[1], sl[3]
            pltpu.make_async_copy(wtab_h.at[cat_v], w_v, srow).wait()

        def repack(sl):
            cat_v, w_v, f_v = sl[0], sl[1], sl[5]

            def fix_grp(i, c):
                ids = cat_v[pl.ds(i * 16, 16)]
                msk = ids == 0
                nbad = jnp.max(msk.astype(jnp.int32))

                @pl.when(nbad > 0)
                def _():
                    rows = lax.iota(jnp.int32, 16) + i * 16
                    zeros = jnp.zeros((16,), jnp.int32)
                    for col in range(DW):
                        plsc.store_scatter(
                            w_v, [rows, jnp.full((16,), col, jnp.int32)],
                            zeros, mask=msk)
                return c

            lax.fori_loop(0, CH // 16, fix_grp, 0)

            def tok_body(t, c):
                for j in range(DW // 16):
                    f_v[pl.ds(t * DW + j * 16, 16)] = w_v[t, pl.ds(j * 16, 16)]
                return c

            lax.fori_loop(0, CH, tok_body, 0)

        def issue_out(g, sl):
            f_v, sout = sl[5], sl[4]
            el0 = (base + g * CH) * DW
            pltpu.async_copy(f_v, out_h.at[pl.ds(el0, CH * DW)], sout)

        def wait_out(sl):
            f_v, sout = sl[5], sl[4]
            pltpu.make_async_copy(
                f_v, out_h.at[pl.ds(base * DW, CH * DW)], sout).wait()

        issue_idx(0, slots[0])
        issue_idx(1, slots[1])
        wait_idx(slots[0])
        issue_gather(slots[0])

        def outer(go, carry):
            for b in (0, 1):
                g = 2 * go + b
                cur, nxt = slots[b], slots[1 - b]

                @pl.when(g + 1 < n_chunks)
                def _():
                    wait_idx(nxt)

                    @pl.when(g >= 1)
                    def _():
                        wait_out(nxt)

                    issue_gather(nxt)

                wait_gather(cur)

                @pl.when(g + 2 < n_chunks)
                def _():
                    issue_idx(g + 2, cur)

                repack(cur)
                issue_out(g, cur)
            return carry

        lax.fori_loop(0, n_chunks // 2, outer, 0)
        wait_out(slots[0])
        wait_out(slots[1])

    return sc_gather


def _make_tc_assemble(N, D, DW, P, S, TB):
    NB = N // TB

    def body(w_ref, pid_ref, sid_ref, ptab_ref, stab_ref, o_ref):
        wi = w_ref[...]
        lo_f = lax.bitcast_convert_type(wi << 16, jnp.float32)
        hi_f = lax.bitcast_convert_type(
            wi & jnp.int32(-65536), jnp.float32)
        w = jnp.concatenate([lo_f, hi_f], axis=1)
        pid = pid_ref[0, 0, :]
        sid = sid_ref[0, 0, :]
        iota_p = lax.broadcasted_iota(jnp.int32, (TB, P), 1)
        iota_s = lax.broadcasted_iota(jnp.int32, (TB, S), 1)
        oh_p = (iota_p == pid[:, None]).astype(jnp.bfloat16)
        oh_s = (iota_s == sid[:, None]).astype(jnp.bfloat16)
        pp = jnp.dot(oh_p, ptab_ref[...], preferred_element_type=jnp.float32)
        ss = jnp.dot(oh_s, stab_ref[...], preferred_element_type=jnp.float32)
        o_ref[...] = w + pp + ss

    return pl.pallas_call(
        body,
        grid=(NB,),
        in_specs=[
            pl.BlockSpec((TB, DW), lambda i: (i, 0)),
            pl.BlockSpec((1, 1, TB), lambda i: (i, 0, 0)),
            pl.BlockSpec((1, 1, TB), lambda i: (i, 0, 0)),
            pl.BlockSpec((P, D), lambda i: (0, 0)),
            pl.BlockSpec((S, D), lambda i: (0, 0)),
        ],
        out_specs=pl.BlockSpec((TB, D), lambda i: (i, 0)),
        out_shape=jax.ShapeDtypeStruct((N, D), jnp.float32),
    )


def kernel(cat_ids, position_ids, shape_ids, word_table, pos_table, shape_table):
    B, L = cat_ids.shape
    V, D = word_table.shape
    P = pos_table.shape[0]
    S = shape_table.shape[0]
    N = B * L
    DW = D // 2
    TB = 4096

    wtab16 = word_table.astype(jnp.bfloat16)
    wtab_pairs = lax.bitcast_convert_type(
        jnp.stack([wtab16[:, :DW], wtab16[:, DW:]], axis=-1), jnp.int32)

    cat_flat = cat_ids.reshape(N)
    wrows = _make_sc_gather(N, DW)(cat_flat, wtab_pairs)
    out = _make_tc_assemble(N, D, DW, P, S, TB)(
        wrows.reshape(N, DW),
        position_ids.reshape(N // TB, 1, TB),
        shape_ids.reshape(N // TB, 1, TB),
        pos_table.astype(jnp.bfloat16),
        shape_table.astype(jnp.bfloat16),
    )
    return out.reshape(B, L, D)

# --- scband reference (transcript-rebuilt; emitter-appended) ---
"""Pipeline reference for scband-add-embeddings-14070312861823 (READ-ONLY COPY).

The authoritative reference and input builder live on the scoring server;
editing this copy changes nothing except your own understanding.
"""

import jax, jax.numpy as jnp
import numpy as np

VOCAB = 1000000
MAX_POS = 200
MAX_SHAPE = 200
HIDDEN = 64
B, L = 4096, 200


def setup_inputs(seed: int = 0) -> dict:
    key = jax.random.key(seed)
    k1, k2, k3, k4, k5, k6 = jax.random.split(key, 6)
    cat_ids = jax.random.randint(k1, (B, L), 0, VOCAB, dtype=jnp.int32)
    position_ids = jax.random.randint(k2, (B, L), 0, MAX_POS, dtype=jnp.int32)
    shape_ids = jax.random.randint(k3, (B, L), 0, MAX_SHAPE, dtype=jnp.int32)
    word_table = jax.random.normal(k4, (VOCAB, HIDDEN), dtype=jnp.float32) * 0.02
    pos_table = jax.random.normal(k5, (MAX_POS, HIDDEN), dtype=jnp.float32) * 0.02
    shape_table = jax.random.normal(k6, (MAX_SHAPE, HIDDEN), dtype=jnp.float32) * 0.02
    return {
        "cat_ids": cat_ids,
        "position_ids": position_ids,
        "shape_ids": shape_ids,
        "word_table": word_table,
        "pos_table": pos_table,
        "shape_table": shape_table,
    }


def reference(cat_ids, position_ids, shape_ids, word_table, pos_table, shape_table):
    # nn.Embedding(padding_idx=0): row 0 of word table is zero
    W = word_table.at[0].set(0.0)
    inputs_embeds = jnp.take(W, cat_ids, axis=0)
    position_embeddings = jnp.take(pos_table, position_ids, axis=0)
    shape_embeddings = jnp.take(shape_table, shape_ids, axis=0)
    embeddings = inputs_embeds + position_embeddings + shape_embeddings
    # dropout p=0.0 -> identity
    return embeddings

if __name__ == "__main__":
    import jax
    _d = setup_inputs()
    print(jax.jit(kernel)(*tuple(_d.values())))

</pallas_src>

<mosaic_0001>
#map = affine_map<(d0, d1) -> (0)>
#map1 = affine_map<(d0, d1) -> (0, 0)>
module attributes {stable_mosaic.version = 14 : i64} {
  func.func @sc_gather(%arg0: i32, %arg1: i32, %arg2: memref<819200xi32, #tpu.memory_space<hbm>>, %arg3: memref<1000000x32xi32, #tpu.memory_space<hbm>>, %arg4: memref<26214400xi32, #tpu.memory_space<hbm>>, %arg5: memref<128xi32, #tpu.memory_space<vmem>>, %arg6: memref<128xi32, #tpu.memory_space<vmem>>, %arg7: memref<128x32xi32, #tpu.memory_space<vmem>>, %arg8: memref<128x32xi32, #tpu.memory_space<vmem>>, %arg9: memref<4096xi32, #tpu.memory_space<vmem>>, %arg10: memref<4096xi32, #tpu.memory_space<vmem>>, %arg11: memref<!tpu.dma_semaphore, #tpu.memory_space<semaphore_mem>>, %arg12: memref<!tpu.dma_semaphore, #tpu.memory_space<semaphore_mem>>, %arg13: memref<!tpu.dma_semaphore, #tpu.memory_space<semaphore_mem>>, %arg14: memref<!tpu.dma_semaphore, #tpu.memory_space<semaphore_mem>>, %arg15: memref<!tpu.dma_semaphore, #tpu.memory_space<semaphore_mem>>, %arg16: memref<!tpu.dma_semaphore, #tpu.memory_space<semaphore_mem>>) attributes {dimension_semantics = [#tpu.dimension_semantics<core_parallel>, #tpu.dimension_semantics<subcore_parallel>], iteration_bounds = array<i64: 2, 16>, scalar_prefetch = 0 : i64, scratch_operands = 12 : i64, tpu.core_type = #tpu.core_type<sc_vector_subcore>, window_params = [{transform_indices = #map}, {transform_indices = #map1}, {transform_indices = #map}]} {
    %mul3A = arith.constant 2 : i32
    %mul3A_0 = arith.muli %arg1, %mul3A : i32
    %add3A = arith.addi %mul3A_0, %arg0 : i32
    %mul3A_1 = arith.constant 25600 : i32
    %mul3A_2 = arith.muli %add3A, %mul3A_1 : i32
    %add3A_3 = arith.constant 0 : i32
    %add3A_4 = arith.addi %mul3A_2, %add3A_3 : i32
    %dma_start3A = tpu.memref_slice %arg2[%add3A_4] : memref<819200xi32, #tpu.memory_space<hbm>> -> memref<128xi32, #tpu.memory_space<hbm>>
    %dma_start3A_5 = tpu.memref_slice %arg2[%add3A_4] : memref<819200xi32, #tpu.memory_space<hbm>> -> memref<128xi32, #tpu.memory_space<hbm>>
    tpu.enqueue_dma source(%dma_start3A_5 : memref<128xi32, #tpu.memory_space<hbm>>) target(%arg5 : memref<128xi32, #tpu.memory_space<vmem>>) target_semaphore(%arg11 : memref<!tpu.dma_semaphore, #tpu.memory_space<semaphore_mem>>)
    %add3A_6 = arith.constant 128 : i32
    %add3A_7 = arith.addi %mul3A_2, %add3A_6 : i32
    %dma_start3A_8 = tpu.memref_slice %arg2[%add3A_7] : memref<819200xi32, #tpu.memory_space<hbm>> -> memref<128xi32, #tpu.memory_space<hbm>>
    %dma_start3A_9 = tpu.memref_slice %arg2[%add3A_7] : memref<819200xi32, #tpu.memory_space<hbm>> -> memref<128xi32, #tpu.memory_space<hbm>>
    tpu.enqueue_dma source(%dma_start3A_9 : memref<128xi32, #tpu.memory_space<hbm>>) target(%arg6 : memref<128xi32, #tpu.memory_space<vmem>>) target_semaphore(%arg12 : memref<!tpu.dma_semaphore, #tpu.memory_space<semaphore_mem>>)
    %dma_wait3A = tpu.memref_slice %arg2[%mul3A_2] : memref<819200xi32, #tpu.memory_space<hbm>> -> memref<128xi32, #tpu.memory_space<hbm>>
    %dma_wait3A_10 = tpu.memref_slice %arg2[%mul3A_2] : memref<819200xi32, #tpu.memory_space<hbm>> -> memref<128xi32, #tpu.memory_space<hbm>>
    tpu.wait_dma2 semaphore(%arg11 : memref<!tpu.dma_semaphore, #tpu.memory_space<semaphore_mem>>) src(%dma_wait3A_10 : memref<128xi32, #tpu.memory_space<hbm>>) dst(%arg5 : memref<128xi32, #tpu.memory_space<vmem>>)
    %dma_start3A_11 = arith.constant 0 : i32
    %dma_start3A_12 = arith.constant 0 : i32
    %dma_start3A_13 = tpu.memref_slice %arg3[%dma_start3A_11, %dma_start3A_12] : memref<1000000x32xi32, #tpu.memory_space<hbm>> -> memref<1000000x32xi32, #tpu.memory_space<hbm>>
    tpu.enqueue_indirect_dma source(%dma_start3A_13 : memref<1000000x32xi32, #tpu.memory_space<hbm>>) target(%arg7 : memref<128x32xi32, #tpu.memory_space<vmem>>) offsets(%arg5 : memref<128xi32, #tpu.memory_space<vmem>>) semaphore(%arg13 : memref<!tpu.dma_semaphore, #tpu.memory_space<semaphore_mem>>)
    %scan3A = arith.constant 0 : i32
    %scan3A_14 = arith.constant 0 : i32
    %scan3A_15 = arith.constant 100 : i32
    %scan3A_16 = arith.addi %scan3A_14, %scan3A_15 : i32
    %scan3A_17 = arith.constant 1 : i32
    scf.for %scan3A_27 = %scan3A_14 to %scan3A_16 step %scan3A_17  : i32 {
      %mul3A_28 = arith.constant 2 : i32
      %mul3A_29 = arith.muli %mul3A_28, %scan3A_27 : i32
      %add3A_30 = arith.constant 0 : i32
      %add3A_31 = arith.addi %mul3A_29, %add3A_30 : i32
      %add3A_32 = arith.constant 1 : i32
      %add3A_33 = arith.addi %add3A_31, %add3A_32 : i32
      %lt3A = arith.constant 200 : i32
      %lt3A_34 = arith.cmpi slt, %add3A_33, %lt3A : i32
      %convert_element_type3A = arith.extui %lt3A_34 : i1 to i32
      %cond3A = arith.constant 0 : i32
      %cond3A_35 = arith.cmpi ne, %convert_element_type3A, %cond3A : i32
      scf.if %cond3A_35 {
        %dma_wait3A_105 = tpu.memref_slice %arg2[%mul3A_2] : memref<819200xi32, #tpu.memory_space<hbm>> -> memref<128xi32, #tpu.memory_space<hbm>>
        %dma_wait3A_106 = tpu.memref_slice %arg2[%mul3A_2] : memref<819200xi32, #tpu.memory_space<hbm>> -> memref<128xi32, #tpu.memory_space<hbm>>
        tpu.wait_dma2 semaphore(%arg12 : memref<!tpu.dma_semaphore, #tpu.memory_space<semaphore_mem>>) src(%dma_wait3A_106 : memref<128xi32, #tpu.memory_space<hbm>>) dst(%arg6 : memref<128xi32, #tpu.memory_space<vmem>>)
        %ge3A = arith.constant 1 : i32
        %ge3A_107 = arith.cmpi sge, %add3A_31, %ge3A : i32
        %convert_element_type3A_108 = arith.extui %ge3A_107 : i1 to i32
        %cond3A_109 = arith.constant 0 : i32
        %cond3A_110 = arith.cmpi ne, %convert_element_type3A_108, %cond3A_109 : i32
        scf.if %cond3A_110 {
          %mul3A_114 = arith.constant 32 : i32
          %mul3A_115 = arith.muli %mul3A_2, %mul3A_114 : i32
          %dma_wait3A_116 = tpu.memref_slice %arg4[%mul3A_115] : memref<26214400xi32, #tpu.memory_space<hbm>> -> memref<4096xi32, #tpu.memory_space<hbm>>
          %dma_wait3A_117 = tpu.memref_slice %arg4[%mul3A_115] : memref<26214400xi32, #tpu.memory_space<hbm>> -> memref<4096xi32, #tpu.memory_space<hbm>>
          tpu.wait_dma2 semaphore(%arg16 : memref<!tpu.dma_semaphore, #tpu.memory_space<semaphore_mem>>) src(%arg10 : memref<4096xi32, #tpu.memory_space<vmem>>) dst(%dma_wait3A_117 : memref<4096xi32, #tpu.memory_space<hbm>>)
        } else {
        }
        %dma_start3A_111 = arith.constant 0 : i32
        %dma_start3A_112 = arith.constant 0 : i32
        %dma_start3A_113 = tpu.memref_slice %arg3[%dma_start3A_111, %dma_start3A_112] : memref<1000000x32xi32, #tpu.memory_space<hbm>> -> memref<1000000x32xi32, #tpu.memory_space<hbm>>
        tpu.enqueue_indirect_dma source(%dma_start3A_113 : memref<1000000x32xi32, #tpu.memory_space<hbm>>) target(%arg8 : memref<128x32xi32, #tpu.memory_space<vmem>>) offsets(%arg6 : memref<128xi32, #tpu.memory_space<vmem>>) semaphore(%arg14 : memref<!tpu.dma_semaphore, #tpu.memory_space<semaphore_mem>>)
      } else {
      }
      %dma_wait3A_36 = arith.constant 0 : i32
      %dma_wait3A_37 = arith.constant 0 : i32
      %dma_wait3A_38 = tpu.memref_slice %arg3[%dma_wait3A_36, %dma_wait3A_37] : memref<1000000x32xi32, #tpu.memory_space<hbm>> -> memref<1000000x32xi32, #tpu.memory_space<hbm>>
      tpu.wait_indirect_dma semaphore(%arg13 : memref<!tpu.dma_semaphore, #tpu.memory_space<semaphore_mem>>) src(%dma_wait3A_38 : memref<1000000x32xi32, #tpu.memory_space<hbm>>) dst(%arg7 : memref<128x32xi32, #tpu.memory_space<vmem>>)
      %add3A_39 = arith.constant 2 : i32
      %add3A_40 = arith.addi %add3A_31, %add3A_39 : i32
      %lt3A_41 = arith.constant 200 : i32
      %lt3A_42 = arith.cmpi slt, %add3A_40, %lt3A_41 : i32
      %convert_element_type3A_43 = arith.extui %lt3A_42 : i1 to i32
      %cond3A_44 = arith.constant 0 : i32
      %cond3A_45 = arith.cmpi ne, %convert_element_type3A_43, %cond3A_44 : i32
      scf.if %cond3A_45 {
        %add3A_105 = arith.constant 2 : i32
        %add3A_106 = arith.addi %add3A_31, %add3A_105 : i32
        %mul3A_107 = arith.constant 128 : i32
        %mul3A_108 = arith.muli %add3A_106, %mul3A_107 : i32
        %add3A_109 = arith.addi %mul3A_2, %mul3A_108 : i32
        %dma_start3A_110 = tpu.memref_slice %arg2[%add3A_109] : memref<819200xi32, #tpu.memory_space<hbm>> -> memref<128xi32, #tpu.memory_space<hbm>>
        %dma_start3A_111 = tpu.memref_slice %arg2[%add3A_109] : memref<819200xi32, #tpu.memory_space<hbm>> -> memref<128xi32, #tpu.memory_space<hbm>>
        tpu.enqueue_dma source(%dma_start3A_111 : memref<128xi32, #tpu.memory_space<hbm>>) target(%arg5 : memref<128xi32, #tpu.memory_space<vmem>>) target_semaphore(%arg11 : memref<!tpu.dma_semaphore, #tpu.memory_space<semaphore_mem>>)
      } else {
      }
      %scan3A_46 = arith.constant 0 : i32
      %scan3A_47 = arith.constant 0 : i32
      %scan3A_48 = arith.constant 8 : i32
      %scan3A_49 = arith.addi %scan3A_47, %scan3A_48 : i32
      %scan3A_50 = arith.constant 1 : i32
      scf.for %scan3A_105 = %scan3A_47 to %scan3A_49 step %scan3A_50  : i32 {
        %mul3A_106 = arith.constant 16 : i32
        %mul3A_107 = arith.muli %scan3A_105, %mul3A_106 : i32
        %get3A = arith.index_cast %mul3A_107 : i32 to index
        %get3A_108 = tpu.vector_load %arg5[%get3A] {strides = array<i32>} : memref<128xi32, #tpu.memory_space<vmem>>, vector<16xi32>,
        %eq3A = arith.constant 0 : i32
        %eq3A_109 = vector.broadcast %eq3A : i32 to vector<16xi32>
        %eq3A_110 = arith.cmpi eq, %get3A_108, %eq3A_109 : vector<16xi32>
        %convert_element_type3A_111 = arith.extui %eq3A_110 : vector<16xi1> to vector<16xi32>
        %reduce_max3A = arith.constant true
        %reduce_max3A_112 = vector.broadcast %reduce_max3A : i1 to vector<16xi1>
        %reduce_max3A_113 = arith.constant -2147483648 : i32
        %reduce_max3A_114 = vector.broadcast %reduce_max3A_113 : i32 to vector<16xi32>
        %reduce_max3A_115 = arith.xori %convert_element_type3A_111, %reduce_max3A_114 : vector<16xi32>
        %reduce_max3A_116 = tpu.scan <max>, %reduce_max3A_115 masked %reduce_max3A_112 : vector<16xi32>, vector<16xi1> -> vector<16xi32>
        %reduce_max3A_117 = arith.xori %reduce_max3A_116, %reduce_max3A_114 : vector<16xi32>
        %reduce_max3A_118 = vector.extract %reduce_max3A_117[15] : i32 from vector<16xi32>
        %gt3A = arith.constant 0 : i32
        %gt3A_119 = arith.cmpi sgt, %reduce_max3A_118, %gt3A : i32
        %convert_element_type3A_120 = arith.extui %gt3A_119 : i1 to i32
        %cond3A_121 = arith.constant 0 : i32
        %cond3A_122 = arith.cmpi ne, %convert_element_type3A_120, %cond3A_121 : i32
        scf.if %cond3A_122 {
          %iota3A = tpu.iota {dimensions = array<i32: 0>} : vector<16xi32>
          %mul3A_123 = arith.constant 16 : i32
          %mul3A_124 = arith.muli %scan3A_105, %mul3A_123 : i32
          %add3A_125 = vector.broadcast %mul3A_124 : i32 to vector<16xi32>
          %add3A_126 = arith.addi %iota3A, %add3A_125 : vector<16xi32>
          %broadcast_in_dim3A = arith.constant 0 : i32
          %broadcast_in_dim3A_127 = vector.broadcast %broadcast_in_dim3A : i32 to vector<16xi32>
          %broadcast_in_dim3A_128 = arith.constant 0 : i32
          %broadcast_in_dim3A_129 = vector.broadcast %broadcast_in_dim3A_128 : i32 to vector<16xi32>
          tpu.vector_store_idx %arg7[%add3A_126, %broadcast_in_dim3A_129], %broadcast_in_dim3A_127 masked %eq3A_110 : memref<128x32xi32, #tpu.memory_space<vmem>>[vector<16xi32>, vector<16xi32>], vector<16xi32>, vector<16xi1>
          %broadcast_in_dim3A_130 = arith.constant 1 : i32
          %broadcast_in_dim3A_131 = vector.broadcast %broadcast_in_dim3A_130 : i32 to vector<16xi32>
          tpu.vector_store_idx %arg7[%add3A_126, %broadcast_in_dim3A_131], %broadcast_in_dim3A_127 masked %eq3A_110 : memref<128x32xi32, #tpu.memory_space<vmem>>[vector<16xi32>, vector<16xi32>], vector<16xi32>, vector<16xi1>
          %broadcast_in_dim3A_132 = arith.constant 2 : i32
          %broadcast_in_dim3A_133 = vector.broadcast %broadcast_in_dim3A_132 : i32 to vector<16xi32>
          tpu.vector_store_idx %arg7[%add3A_126, %broadcast_in_dim3A_133], %broadcast_in_dim3A_127 masked %eq3A_110 : memref<128x32xi32, #tpu.memory_space<vmem>>[vector<16xi32>, vector<16xi32>], vector<16xi32>, vector<16xi1>
          %broadcast_in_dim3A_134 = arith.constant 3 : i32
          %broadcast_in_dim3A_135 = vector.broadcast %broadcast_in_dim3A_134 : i32 to vector<16xi32>
          tpu.vector_store_idx %arg7[%add3A_126, %broadcast_in_dim3A_135], %broadcast_in_dim3A_127 masked %eq3A_110 : memref<128x32xi32, #tpu.memory_space<vmem>>[vector<16xi32>, vector<16xi32>], vector<16xi32>, vector<16xi1>
          %broadcast_in_dim3A_136 = arith.constant 4 : i32
          %broadcast_in_dim3A_137 = vector.broadcast %broadcast_in_dim3A_136 : i32 to vector<16xi32>
          tpu.vector_store_idx %arg7[%add3A_126, %broadcast_in_dim3A_137], %broadcast_in_dim3A_127 masked %eq3A_110 : memref<128x32xi32, #tpu.memory_space<vmem>>[vector<16xi32>, vector<16xi32>], vector<16xi32>, vector<16xi1>
          %broadcast_in_dim3A_138 = arith.constant 5 : i32
          %broadcast_in_dim3A_139 = vector.broadcast %broadcast_in_dim3A_138 : i32 to vector<16xi32>
          tpu.vector_store_idx %arg7[%add3A_126, %broadcast_in_dim3A_139], %broadcast_in_dim3A_127 masked %eq3A_110 : memref<128x32xi32, #tpu.memory_space<vmem>>[vector<16xi32>, vector<16xi32>], vector<16xi32>, vector<16xi1>
          %broadcast_in_dim3A_140 = arith.constant 6 : i32
          %broadcast_in_dim3A_141 = vector.broadcast %broadcast_in_dim3A_140 : i32 to vector<16xi32>
          tpu.vector_store_idx %arg7[%add3A_126, %broadcast_in_dim3A_141], %broadcast_in_dim3A_127 masked %eq3A_110 : memref<128x32xi32, #tpu.memory_space<vmem>>[vector<16xi32>, vector<16xi32>], vector<16xi32>, vector<16xi1>
          %broadcast_in_dim3A_142 = arith.constant 7 : i32
          %broadcast_in_dim3A_143 = vector.broadcast %broadcast_in_dim3A_142 : i32 to vector<16xi32>
          tpu.vector_store_idx %arg7[%add3A_126, %broadcast_in_dim3A_143], %broadcast_in_dim3A_127 masked %eq3A_110 : memref<128x32xi32, #tpu.memory_space<vmem>>[vector<16xi32>, vector<16xi32>], vector<16xi32>, vector<16xi1>
          %broadcast_in_dim3A_144 = arith.constant 8 : i32
          %broadcast_in_dim3A_145 = vector.broadcast %broadcast_in_dim3A_144 : i32 to vector<16xi32>
          tpu.vector_store_idx %arg7[%add3A_126, %broadcast_in_dim3A_145], %broadcast_in_dim3A_127 masked %eq3A_110 : memref<128x32xi32, #tpu.memory_space<vmem>>[vector<16xi32>, vector<16xi32>], vector<16xi32>, vector<16xi1>
          %broadcast_in_dim3A_146 = arith.constant 9 : i32
          %broadcast_in_dim3A_147 = vector.broadcast %broadcast_in_dim3A_146 : i32 to vector<16xi32>
          tpu.vector_store_idx %arg7[%add3A_126, %broadcast_in_dim3A_147], %broadcast_in_dim3A_127 masked %eq3A_110 : memref<128x32xi32, #tpu.memory_space<vmem>>[vector<16xi32>, vector<16xi32>], vector<16xi32>, vector<16xi1>
          %broadcast_in_dim3A_148 = arith.constant 10 : i32
          %broadcast_in_dim3A_149 = vector.broadcast %broadcast_in_dim3A_148 : i32 to vector<16xi32>
          tpu.vector_store_idx %arg7[%add3A_126, %broadcast_in_dim3A_149], %broadcast_in_dim3A_127 masked %eq3A_110 : memref<128x32xi32, #tpu.memory_space<vmem>>[vector<16xi32>, vector<16xi32>], vector<16xi32>, vector<16xi1>
          %broadcast_in_dim3A_150 = arith.constant 11 : i32
          %broadcast_in_dim3A_151 = vector.broadcast %broadcast_in_dim3A_150 : i32 to vector<16xi32>
          tpu.vector_store_idx %arg7[%add3A_126, %broadcast_in_dim3A_151], %broadcast_in_dim3A_127 masked %eq3A_110 : memref<128x32xi32, #tpu.memory_space<vmem>>[vector<16xi32>, vector<16xi32>], vector<16xi32>, vector<16xi1>
          %broadcast_in_dim3A_152 = arith.constant 12 : i32
          %broadcast_in_dim3A_153 = vector.broadcast %broadcast_in_dim3A_152 : i32 to vector<16xi32>
          tpu.vector_store_idx %arg7[%add3A_126, %broadcast_in_dim3A_153], %broadcast_in_dim3A_127 masked %eq3A_110 : memref<128x32xi32, #tpu.memory_space<vmem>>[vector<16xi32>, vector<16xi32>], vector<16xi32>, vector<16xi1>
          %broadcast_in_dim3A_154 = arith.constant 13 : i32
          %broadcast_in_dim3A_155 = vector.broadcast %broadcast_in_dim3A_154 : i32 to vector<16xi32>
          tpu.vector_store_idx %arg7[%add3A_126, %broadcast_in_dim3A_155], %broadcast_in_dim3A_127 masked %eq3A_110 : memref<128x32xi32, #tpu.memory_space<vmem>>[vector<16xi32>, vector<16xi32>], vector<16xi32>, vector<16xi1>
          %broadcast_in_dim3A_156 = arith.constant 14 : i32
          %broadcast_in_dim3A_157 = vector.broadcast %broadcast_in_dim3A_156 : i32 to vector<16xi32>
          tpu.vector_store_idx %arg7[%add3A_126, %broadcast_in_dim3A_157], %broadcast_in_dim3A_127 masked %eq3A_110 : memref<128x32xi32, #tpu.memory_space<vmem>>[vector<16xi32>, vector<16xi32>], vector<16xi32>, vector<16xi1>
          %broadcast_in_dim3A_158 = arith.constant 15 : i32
          %broadcast_in_dim3A_159 = vector.broadcast %broadcast_in_dim3A_158 : i32 to vector<16xi32>
          tpu.vector_store_idx %arg7[%add3A_126, %broadcast_in_dim3A_159], %broadcast_in_dim3A_127 masked %eq3A_110 : memref<128x32xi32, #tpu.memory_space<vmem>>[vector<16xi32>, vector<16xi32>], vector<16xi32>, vector<16xi1>
          %broadcast_in_dim3A_160 = arith.constant 16 : i32
          %broadcast_in_dim3A_161 = vector.broadcast %broadcast_in_dim3A_160 : i32 to vector<16xi32>
          tpu.vector_store_idx %arg7[%add3A_126, %broadcast_in_dim3A_161], %broadcast_in_dim3A_127 masked %eq3A_110 : memref<128x32xi32, #tpu.memory_space<vmem>>[vector<16xi32>, vector<16xi32>], vector<16xi32>, vector<16xi1>
          %broadcast_in_dim3A_162 = arith.constant 17 : i32
          %broadcast_in_dim3A_163 = vector.broadcast %broadcast_in_dim3A_162 : i32 to vector<16xi32>
          tpu.vector_store_idx %arg7[%add3A_126, %broadcast_in_dim3A_163], %broadcast_in_dim3A_127 masked %eq3A_110 : memref<128x32xi32, #tpu.memory_space<vmem>>[vector<16xi32>, vector<16xi32>], vector<16xi32>, vector<16xi1>
          %broadcast_in_dim3A_164 = arith.constant 18 : i32
          %broadcast_in_dim3A_165 = vector.broadcast %broadcast_in_dim3A_164 : i32 to vector<16xi32>
          tpu.vector_store_idx %arg7[%add3A_126, %broadcast_in_dim3A_165], %broadcast_in_dim3A_127 masked %eq3A_110 : memref<128x32xi32, #tpu.memory_space<vmem>>[vector<16xi32>, vector<16xi32>], vector<16xi32>, vector<16xi1>
          %broadcast_in_dim3A_166 = arith.constant 19 : i32
          %broadcast_in_dim3A_167 = vector.broadcast %broadcast_in_dim3A_166 : i32 to vector<16xi32>
          tpu.vector_store_idx %arg7[%add3A_126, %broadcast_in_dim3A_167], %broadcast_in_dim3A_127 masked %eq3A_110 : memref<128x32xi32, #tpu.memory_space<vmem>>[vector<16xi32>, vector<16xi32>], vector<16xi32>, vector<16xi1>
          %broadcast_in_dim3A_168 = arith.constant 20 : i32
          %broadcast_in_dim3A_169 = vector.broadcast %broadcast_in_dim3A_168 : i32 to vector<16xi32>
          tpu.vector_store_idx %arg7[%add3A_126, %broadcast_in_dim3A_169], %broadcast_in_dim3A_127 masked %eq3A_110 : memref<128x32xi32, #tpu.memory_space<vmem>>[vector<16xi32>, vector<16xi32>], vector<16xi32>, vector<16xi1>
          %broadcast_in_dim3A_170 = arith.constant 21 : i32
          %broadcast_in_dim3A_171 = vector.broadcast %broadcast_in_dim3A_170 : i32 to vector<16xi32>
          tpu.vector_store_idx %arg7[%add3A_126, %broadcast_in_dim3A_171], %broadcast_in_dim3A_127 masked %eq3A_110 : memref<128x32xi32, #tpu.memory_space<vmem>>[vector<16xi32>, vector<16xi32>], vector<16xi32>, vector<16xi1>
          %broadcast_in_dim3A_172 = arith.constant 22 : i32
          %broadcast_in_dim3A_173 = vector.broadcast %broadcast_in_dim3A_172 : i32 to vector<16xi32>
          tpu.vector_store_idx %arg7[%add3A_126, %broadcast_in_dim3A_173], %broadcast_in_dim3A_127 masked %eq3A_110 : memref<128x32xi32, #tpu.memory_space<vmem>>[vector<16xi32>, vector<16xi32>], vector<16xi32>, vector<16xi1>
          %broadcast_in_dim3A_174 = arith.constant 23 : i32
          %broadcast_in_dim3A_175 = vector.broadcast %broadcast_in_dim3A_174 : i32 to vector<16xi32>
          tpu.vector_store_idx %arg7[%add3A_126, %broadcast_in_dim3A_175], %broadcast_in_dim3A_127 masked %eq3A_110 : memref<128x32xi32, #tpu.memory_space<vmem>>[vector<16xi32>, vector<16xi32>], vector<16xi32>, vector<16xi1>
          %broadcast_in_dim3A_176 = arith.constant 24 : i32
          %broadcast_in_dim3A_177 = vector.broadcast %broadcast_in_dim3A_176 : i32 to vector<16xi32>
          tpu.vector_store_idx %arg7[%add3A_126, %broadcast_in_dim3A_177], %broadcast_in_dim3A_127 masked %eq3A_110 : memref<128x32xi32, #tpu.memory_space<vmem>>[vector<16xi32>, vector<16xi32>], vector<16xi32>, vector<16xi1>
          %broadcast_in_dim3A_178 = arith.constant 25 : i32
          %broadcast_in_dim3A_179 = vector.broadcast %broadcast_in_dim3A_178 : i32 to vector<16xi32>
          tpu.vector_store_idx %arg7[%add3A_126, %broadcast_in_dim3A_179], %broadcast_in_dim3A_127 masked %eq3A_110 : memref<128x32xi32, #tpu.memory_space<vmem>>[vector<16xi32>, vector<16xi32>], vector<16xi32>, vector<16xi1>
          %broadcast_in_dim3A_180 = arith.constant 26 : i32
          %broadcast_in_dim3A_181 = vector.broadcast %broadcast_in_dim3A_180 : i32 to vector<16xi32>
          tpu.vector_store_idx %arg7[%add3A_126, %broadcast_in_dim3A_181], %broadcast_in_dim3A_127 masked %eq3A_110 : memref<128x32xi32, #tpu.memory_space<vmem>>[vector<16xi32>, vector<16xi32>], vector<16xi32>, vector<16xi1>
          %broadcast_in_dim3A_182 = arith.constant 27 : i32
          %broadcast_in_dim3A_183 = vector.broadcast %broadcast_in_dim3A_182 : i32 to vector<16xi32>
          tpu.vector_store_idx %arg7[%add3A_126, %broadcast_in_dim3A_183], %broadcast_in_dim3A_127 masked %eq3A_110 : memref<128x32xi32, #tpu.memory_space<vmem>>[vector<16xi32>, vector<16xi32>], vector<16xi32>, vector<16xi1>
          %broadcast_in_dim3A_184 = arith.constant 28 : i32
          %broadcast_in_dim3A_185 = vector.broadcast %broadcast_in_dim3A_184 : i32 to vector<16xi32>
          tpu.vector_store_idx %arg7[%add3A_126, %broadcast_in_dim3A_185], %broadcast_in_dim3A_127 masked %eq3A_110 : memref<128x32xi32, #tpu.memory_space<vmem>>[vector<16xi32>, vector<16xi32>], vector<16xi32>, vector<16xi1>
          %broadcast_in_dim3A_186 = arith.constant 29 : i32
          %broadcast_in_dim3A_187 = vector.broadcast %broadcast_in_dim3A_186 : i32 to vector<16xi32>
          tpu.vector_store_idx %arg7[%add3A_126, %broadcast_in_dim3A_187], %broadcast_in_dim3A_127 masked %eq3A_110 : memref<128x32xi32, #tpu.memory_space<vmem>>[vector<16xi32>, vector<16xi32>], vector<16xi32>, vector<16xi1>
          %broadcast_in_dim3A_188 = arith.constant 30 : i32
          %broadcast_in_dim3A_189 = vector.broadcast %broadcast_in_dim3A_188 : i32 to vector<16xi32>
          tpu.vector_store_idx %arg7[%add3A_126, %broadcast_in_dim3A_189], %broadcast_in_dim3A_127 masked %eq3A_110 : memref<128x32xi32, #tpu.memory_space<vmem>>[vector<16xi32>, vector<16xi32>], vector<16xi32>, vector<16xi1>
          %broadcast_in_dim3A_190 = arith.constant 31 : i32
          %broadcast_in_dim3A_191 = vector.broadcast %broadcast_in_dim3A_190 : i32 to vector<16xi32>
          tpu.vector_store_idx %arg7[%add3A_126, %broadcast_in_dim3A_191], %broadcast_in_dim3A_127 masked %eq3A_110 : memref<128x32xi32, #tpu.memory_space<vmem>>[vector<16xi32>, vector<16xi32>], vector<16xi32>, vector<16xi1>
        } else {
        }
      }
      %scan3A_51 = arith.constant 8 : i32
      %scan3A_52 = arith.constant 0 : i32
      %scan3A_53 = arith.constant 0 : i32
      %scan3A_54 = arith.constant 128 : i32
      %scan3A_55 = arith.addi %scan3A_53, %scan3A_54 : i32
      %scan3A_56 = arith.constant 1 : i32
      scf.for %scan3A_105 = %scan3A_53 to %scan3A_55 step %scan3A_56  : i32 {
        %get3A = arith.index_cast %scan3A_105 : i32 to index
        %get3A_106 = arith.constant 0 : index
        %get3A_107 = tpu.vector_load %arg7[%get3A, %get3A_106] {strides = array<i32>} : memref<128x32xi32, #tpu.memory_space<vmem>>, vector<16xi32>,
        %mul3A_108 = arith.constant 32 : i32
        %mul3A_109 = arith.muli %scan3A_105, %mul3A_108 : i32
        %add3A_110 = arith.constant 0 : i32
        %add3A_111 = arith.addi %mul3A_109, %add3A_110 : i32
        %swap3A = arith.index_cast %add3A_111 : i32 to index
        %swap3A_112 = tpu.vector_load %arg9[%swap3A] {strides = array<i32>} : memref<4096xi32, #tpu.memory_space<vmem>>, vector<16xi32>,
        tpu.vector_store %arg9[%swap3A], %get3A_107 {strides = array<i32>} : memref<4096xi32, #tpu.memory_space<vmem>>, vector<16xi32>,
        %get3A_113 = arith.index_cast %scan3A_105 : i32 to index
        %get3A_114 = arith.constant 16 : index
        %get3A_115 = tpu.vector_load %arg7[%get3A_113, %get3A_114] {strides = array<i32>} : memref<128x32xi32, #tpu.memory_space<vmem>>, vector<16xi32>,
        %mul3A_116 = arith.constant 32 : i32
        %mul3A_117 = arith.muli %scan3A_105, %mul3A_116 : i32
        %add3A_118 = arith.constant 16 : i32
        %add3A_119 = arith.addi %mul3A_117, %add3A_118 : i32
        %swap3A_120 = arith.index_cast %add3A_119 : i32 to index
        %swap3A_121 = tpu.vector_load %arg9[%swap3A_120] {strides = array<i32>} : memref<4096xi32, #tpu.memory_space<vmem>>, vector<16xi32>,
        tpu.vector_store %arg9[%swap3A_120], %get3A_115 {strides = array<i32>} : memref<4096xi32, #tpu.memory_space<vmem>>, vector<16xi32>,
      }
      %scan3A_57 = arith.constant 128 : i32
      %mul3A_58 = arith.constant 128 : i32
      %mul3A_59 = arith.muli %add3A_31, %mul3A_58 : i32
      %add3A_60 = arith.addi %mul3A_2, %mul3A_59 : i32
      %mul3A_61 = arith.constant 32 : i32
      %mul3A_62 = arith.muli %add3A_60, %mul3A_61 : i32
      %dma_start3A_63 = tpu.memref_slice %arg4[%mul3A_62] : memref<26214400xi32, #tpu.memory_space<hbm>> -> memref<4096xi32, #tpu.memory_space<hbm>>
      %dma_start3A_64 = tpu.memref_slice %arg4[%mul3A_62] : memref<26214400xi32, #tpu.memory_space<hbm>> -> memref<4096xi32, #tpu.memory_space<hbm>>
      tpu.enqueue_dma source(%arg9 : memref<4096xi32, #tpu.memory_space<vmem>>) target(%dma_start3A_64 : memref<4096xi32, #tpu.memory_space<hbm>>) target_semaphore(%arg15 : memref<!tpu.dma_semaphore, #tpu.memory_space<semaphore_mem>>)
      %mul3A_65 = arith.constant 2 : i32
      %mul3A_66 = arith.muli %mul3A_65, %scan3A_27 : i32
      %add3A_67 = arith.constant 1 : i32
      %add3A_68 = arith.addi %mul3A_66, %add3A_67 : i32
      %add3A_69 = arith.constant 1 : i32
      %add3A_70 = arith.addi %add3A_68, %add3A_69 : i32
      %lt3A_71 = arith.constant 200 : i32
      %lt3A_72 = arith.cmpi slt, %add3A_70, %lt3A_71 : i32
      %convert_element_type3A_73 = arith.extui %lt3A_72 : i1 to i32
      %cond3A_74 = arith.constant 0 : i32
      %cond3A_75 = arith.cmpi ne, %convert_element_type3A_73, %cond3A_74 : i32
      scf.if %cond3A_75 {
        %dma_wait3A_105 = tpu.memref_slice %arg2[%mul3A_2] : memref<819200xi32, #tpu.memory_space<hbm>> -> memref<128xi32, #tpu.memory_space<hbm>>
        %dma_wait3A_106 = tpu.memref_slice %arg2[%mul3A_2] : memref<819200xi32, #tpu.memory_space<hbm>> -> memref<128xi32, #tpu.memory_space<hbm>>
        tpu.wait_dma2 semaphore(%arg11 : memref<!tpu.dma_semaphore, #tpu.memory_space<semaphore_mem>>) src(%dma_wait3A_106 : memref<128xi32, #tpu.memory_space<hbm>>) dst(%arg5 : memref<128xi32, #tpu.memory_space<vmem>>)
        %ge3A = arith.constant 1 : i32
        %ge3A_107 = arith.cmpi sge, %add3A_68, %ge3A : i32
        %convert_element_type3A_108 = arith.extui %ge3A_107 : i1 to i32
        %cond3A_109 = arith.constant 0 : i32
        %cond3A_110 = arith.cmpi ne, %convert_element_type3A_108, %cond3A_109 : i32
        scf.if %cond3A_110 {
          %mul3A_114 = arith.constant 32 : i32
          %mul3A_115 = arith.muli %mul3A_2, %mul3A_114 : i32
          %dma_wait3A_116 = tpu.memref_slice %arg4[%mul3A_115] : memref<26214400xi32, #tpu.memory_space<hbm>> -> memref<4096xi32, #tpu.memory_space<hbm>>
          %dma_wait3A_117 = tpu.memref_slice %arg4[%mul3A_115] : memref<26214400xi32, #tpu.memory_space<hbm>> -> memref<4096xi32, #tpu.memory_space<hbm>>
          tpu.wait_dma2 semaphore(%arg15 : memref<!tpu.dma_semaphore, #tpu.memory_space<semaphore_mem>>) src(%arg9 : memref<4096xi32, #tpu.memory_space<vmem>>) dst(%dma_wait3A_117 : memref<4096xi32, #tpu.memory_space<hbm>>)
        } else {
        }
        %dma_start3A_111 = arith.constant 0 : i32
        %dma_start3A_112 = arith.constant 0 : i32
        %dma_start3A_113 = tpu.memref_slice %arg3[%dma_start3A_111, %dma_start3A_112] : memref<1000000x32xi32, #tpu.memory_space<hbm>> -> memref<1000000x32xi32, #tpu.memory_space<hbm>>
        tpu.enqueue_indirect_dma source(%dma_start3A_113 : memref<1000000x32xi32, #tpu.memory_space<hbm>>) target(%arg7 : memref<128x32xi32, #tpu.memory_space<vmem>>) offsets(%arg5 : memref<128xi32, #tpu.memory_space<vmem>>) semaphore(%arg13 : memref<!tpu.dma_semaphore, #tpu.memory_space<semaphore_mem>>)
      } else {
      }
      %dma_wait3A_76 = arith.constant 0 : i32
      %dma_wait3A_77 = arith.constant 0 : i32
      %dma_wait3A_78 = tpu.memref_slice %arg3[%dma_wait3A_76, %dma_wait3A_77] : memref<1000000x32xi32, #tpu.memory_space<hbm>> -> memref<1000000x32xi32, #tpu.memory_space<hbm>>
      tpu.wait_indirect_dma semaphore(%arg14 : memref<!tpu.dma_semaphore, #tpu.memory_space<semaphore_mem>>) src(%dma_wait3A_78 : memref<1000000x32xi32, #tpu.memory_space<hbm>>) dst(%arg8 : memref<128x32xi32, #tpu.memory_space<vmem>>)
      %add3A_79 = arith.constant 2 : i32
      %add3A_80 = arith.addi %add3A_68, %add3A_79 : i32
      %lt3A_81 = arith.constant 200 : i32
      %lt3A_82 = arith.cmpi slt, %add3A_80, %lt3A_81 : i32
      %convert_element_type3A_83 = arith.extui %lt3A_82 : i1 to i32
      %cond3A_84 = arith.constant 0 : i32
      %cond3A_85 = arith.cmpi ne, %convert_element_type3A_83, %cond3A_84 : i32
      scf.if %cond3A_85 {
        %add3A_105 = arith.constant 2 : i32
        %add3A_106 = arith.addi %add3A_68, %add3A_105 : i32
        %mul3A_107 = arith.constant 128 : i32
        %mul3A_108 = arith.muli %add3A_106, %mul3A_107 : i32
        %add3A_109 = arith.addi %mul3A_2, %mul3A_108 : i32
        %dma_start3A_110 = tpu.memref_slice %arg2[%add3A_109] : memref<819200xi32, #tpu.memory_space<hbm>> -> memref<128xi32, #tpu.memory_space<hbm>>
        %dma_start3A_111 = tpu.memref_slice %arg2[%add3A_109] : memref<819200xi32, #tpu.memory_space<hbm>> -> memref<128xi32, #tpu.memory_space<hbm>>
        tpu.enqueue_dma source(%dma_start3A_111 : memref<128xi32, #tpu.memory_space<hbm>>) target(%arg6 : memref<128xi32, #tpu.memory_space<vmem>>) target_semaphore(%arg12 : memref<!tpu.dma_semaphore, #tpu.memory_space<semaphore_mem>>)
      } else {
      }
      %scan3A_86 = arith.constant 0 : i32
      %scan3A_87 = arith.constant 0 : i32
      %scan3A_88 = arith.constant 8 : i32
      %scan3A_89 = arith.addi %scan3A_87, %scan3A_88 : i32
      %scan3A_90 = arith.constant 1 : i32
      scf.for %scan3A_105 = %scan3A_87 to %scan3A_89 step %scan3A_90  : i32 {
        %mul3A_106 = arith.constant 16 : i32
        %mul3A_107 = arith.muli %scan3A_105, %mul3A_106 : i32
        %get3A = arith.index_cast %mul3A_107 : i32 to index
        %get3A_108 = tpu.vector_load %arg6[%get3A] {strides = array<i32>} : memref<128xi32, #tpu.memory_space<vmem>>, vector<16xi32>,
        %eq3A = arith.constant 0 : i32
        %eq3A_109 = vector.broadcast %eq3A : i32 to vector<16xi32>
        %eq3A_110 = arith.cmpi eq, %get3A_108, %eq3A_109 : vector<16xi32>
        %convert_element_type3A_111 = arith.extui %eq3A_110 : vector<16xi1> to vector<16xi32>
        %reduce_max3A = arith.constant true
        %reduce_max3A_112 = vector.broadcast %reduce_max3A : i1 to vector<16xi1>
        %reduce_max3A_113 = arith.constant -2147483648 : i32
        %reduce_max3A_114 = vector.broadcast %reduce_max3A_113 : i32 to vector<16xi32>
        %reduce_max3A_115 = arith.xori %convert_element_type3A_111, %reduce_max3A_114 : vector<16xi32>
        %reduce_max3A_116 = tpu.scan <max>, %reduce_max3A_115 masked %reduce_max3A_112 : vector<16xi32>, vector<16xi1> -> vector<16xi32>
        %reduce_max3A_117 = arith.xori %reduce_max3A_116, %reduce_max3A_114 : vector<16xi32>
        %reduce_max3A_118 = vector.extract %reduce_max3A_117[15] : i32 from vector<16xi32>
        %gt3A = arith.constant 0 : i32
        %gt3A_119 = arith.cmpi sgt, %reduce_max3A_118, %gt3A : i32
        %convert_element_type3A_120 = arith.extui %gt3A_119 : i1 to i32
        %cond3A_121 = arith.constant 0 : i32
        %cond3A_122 = arith.cmpi ne, %convert_element_type3A_120, %cond3A_121 : i32
        scf.if %cond3A_122 {
          %iota3A = tpu.iota {dimensions = array<i32: 0>} : vector<16xi32>
          %mul3A_123 = arith.constant 16 : i32
          %mul3A_124 = arith.muli %scan3A_105, %mul3A_123 : i32
          %add3A_125 = vector.broadcast %mul3A_124 : i32 to vector<16xi32>
          %add3A_126 = arith.addi %iota3A, %add3A_125 : vector<16xi32>
          %broadcast_in_dim3A = arith.constant 0 : i32
          %broadcast_in_dim3A_127 = vector.broadcast %broadcast_in_dim3A : i32 to vector<16xi32>
          %broadcast_in_dim3A_128 = arith.constant 0 : i32
          %broadcast_in_dim3A_129 = vector.broadcast %broadcast_in_dim3A_128 : i32 to vector<16xi32>
          tpu.vector_store_idx %arg8[%add3A_126, %broadcast_in_dim3A_129], %broadcast_in_dim3A_127 masked %eq3A_110 : memref<128x32xi32, #tpu.memory_space<vmem>>[vector<16xi32>, vector<16xi32>], vector<16xi32>, vector<16xi1>
          %broadcast_in_dim3A_130 = arith.constant 1 : i32
          %broadcast_in_dim3A_131 = vector.broadcast %broadcast_in_dim3A_130 : i32 to vector<16xi32>
          tpu.vector_store_idx %arg8[%add3A_126, %broadcast_in_dim3A_131], %broadcast_in_dim3A_127 masked %eq3A_110 : memref<128x32xi32, #tpu.memory_space<vmem>>[vector<16xi32>, vector<16xi32>], vector<16xi32>, vector<16xi1>
          %broadcast_in_dim3A_132 = arith.constant 2 : i32
          %broadcast_in_dim3A_133 = vector.broadcast %broadcast_in_dim3A_132 : i32 to vector<16xi32>
          tpu.vector_store_idx %arg8[%add3A_126, %broadcast_in_dim3A_133], %broadcast_in_dim3A_127 masked %eq3A_110 : memref<128x32xi32, #tpu.memory_space<vmem>>[vector<16xi32>, vector<16xi32>], vector<16xi32>, vector<16xi1>
          %broadcast_in_dim3A_134 = arith.constant 3 : i32
          %broadcast_in_dim3A_135 = vector.broadcast %broadcast_in_dim3A_134 : i32 to vector<16xi32>
          tpu.vector_store_idx %arg8[%add3A_126, %broadcast_in_dim3A_135], %broadcast_in_dim3A_127 masked %eq3A_110 : memref<128x32xi32, #tpu.memory_space<vmem>>[vector<16xi32>, vector<16xi32>], vector<16xi32>, vector<16xi1>
          %broadcast_in_dim3A_136 = arith.constant 4 : i32
          %broadcast_in_dim3A_137 = vector.broadcast %broadcast_in_dim3A_136 : i32 to vector<16xi32>
          tpu.vector_store_idx %arg8[%add3A_126, %broadcast_in_dim3A_137], %broadcast_in_dim3A_127 masked %eq3A_110 : memref<128x32xi32, #tpu.memory_space<vmem>>[vector<16xi32>, vector<16xi32>], vector<16xi32>, vector<16xi1>
          %broadcast_in_dim3A_138 = arith.constant 5 : i32
          %broadcast_in_dim3A_139 = vector.broadcast %broadcast_in_dim3A_138 : i32 to vector<16xi32>
          tpu.vector_store_idx %arg8[%add3A_126, %broadcast_in_dim3A_139], %broadcast_in_dim3A_127 masked %eq3A_110 : memref<128x32xi32, #tpu.memory_space<vmem>>[vector<16xi32>, vector<16xi32>], vector<16xi32>, vector<16xi1>
          %broadcast_in_dim3A_140 = arith.constant 6 : i32
          %broadcast_in_dim3A_141 = vector.broadcast %broadcast_in_dim3A_140 : i32 to vector<16xi32>
          tpu.vector_store_idx %arg8[%add3A_126, %broadcast_in_dim3A_141], %broadcast_in_dim3A_127 masked %eq3A_110 : memref<128x32xi32, #tpu.memory_space<vmem>>[vector<16xi32>, vector<16xi32>], vector<16xi32>, vector<16xi1>
          %broadcast_in_dim3A_142 = arith.constant 7 : i32
          %broadcast_in_dim3A_143 = vector.broadcast %broadcast_in_dim3A_142 : i32 to vector<16xi32>
          tpu.vector_store_idx %arg8[%add3A_126, %broadcast_in_dim3A_143], %broadcast_in_dim3A_127 masked %eq3A_110 : memref<128x32xi32, #tpu.memory_space<vmem>>[vector<16xi32>, vector<16xi32>], vector<16xi32>, vector<16xi1>
          %broadcast_in_dim3A_144 = arith.constant 8 : i32
          %broadcast_in_dim3A_145 = vector.broadcast %broadcast_in_dim3A_144 : i32 to vector<16xi32>
          tpu.vector_store_idx %arg8[%add3A_126, %broadcast_in_dim3A_145], %broadcast_in_dim3A_127 masked %eq3A_110 : memref<128x32xi32, #tpu.memory_space<vmem>>[vector<16xi32>, vector<16xi32>], vector<16xi32>, vector<16xi1>
          %broadcast_in_dim3A_146 = arith.constant 9 : i32
          %broadcast_in_dim3A_147 = vector.broadcast %broadcast_in_dim3A_146 : i32 to vector<16xi32>
          tpu.vector_store_idx %arg8[%add3A_126, %broadcast_in_dim3A_147], %broadcast_in_dim3A_127 masked %eq3A_110 : memref<128x32xi32, #tpu.memory_space<vmem>>[vector<16xi32>, vector<16xi32>], vector<16xi32>, vector<16xi1>
          %broadcast_in_dim3A_148 = arith.constant 10 : i32
          %broadcast_in_dim3A_149 = vector.broadcast %broadcast_in_dim3A_148 : i32 to vector<16xi32>
          tpu.vector_store_idx %arg8[%add3A_126, %broadcast_in_dim3A_149], %broadcast_in_dim3A_127 masked %eq3A_110 : memref<128x32xi32, #tpu.memory_space<vmem>>[vector<16xi32>, vector<16xi32>], vector<16xi32>, vector<16xi1>
          %broadcast_in_dim3A_150 = arith.constant 11 : i32
          %broadcast_in_dim3A_151 = vector.broadcast %broadcast_in_dim3A_150 : i32 to vector<16xi32>
          tpu.vector_store_idx %arg8[%add3A_126, %broadcast_in_dim3A_151], %broadcast_in_dim3A_127 masked %eq3A_110 : memref<128x32xi32, #tpu.memory_space<vmem>>[vector<16xi32>, vector<16xi32>], vector<16xi32>, vector<16xi1>
          %broadcast_in_dim3A_152 = arith.constant 12 : i32
          %broadcast_in_dim3A_153 = vector.broadcast %broadcast_in_dim3A_152 : i32 to vector<16xi32>
          tpu.vector_store_idx %arg8[%add3A_126, %broadcast_in_dim3A_153], %broadcast_in_dim3A_127 masked %eq3A_110 : memref<128x32xi32, #tpu.memory_space<vmem>>[vector<16xi32>, vector<16xi32>], vector<16xi32>, vector<16xi1>
          %broadcast_in_dim3A_154 = arith.constant 13 : i32
          %broadcast_in_dim3A_155 = vector.broadcast %broadcast_in_dim3A_154 : i32 to vector<16xi32>
          tpu.vector_store_idx %arg8[%add3A_126, %broadcast_in_dim3A_155], %broadcast_in_dim3A_127 masked %eq3A_110 : memref<128x32xi32, #tpu.memory_space<vmem>>[vector<16xi32>, vector<16xi32>], vector<16xi32>, vector<16xi1>
          %broadcast_in_dim3A_156 = arith.constant 14 : i32
          %broadcast_in_dim3A_157 = vector.broadcast %broadcast_in_dim3A_156 : i32 to vector<16xi32>
          tpu.vector_store_idx %arg8[%add3A_126, %broadcast_in_dim3A_157], %broadcast_in_dim3A_127 masked %eq3A_110 : memref<128x32xi32, #tpu.memory_space<vmem>>[vector<16xi32>, vector<16xi32>], vector<16xi32>, vector<16xi1>
          %broadcast_in_dim3A_158 = arith.constant 15 : i32
          %broadcast_in_dim3A_159 = vector.broadcast %broadcast_in_dim3A_158 : i32 to vector<16xi32>
          tpu.vector_store_idx %arg8[%add3A_126, %broadcast_in_dim3A_159], %broadcast_in_dim3A_127 masked %eq3A_110 : memref<128x32xi32, #tpu.memory_space<vmem>>[vector<16xi32>, vector<16xi32>], vector<16xi32>, vector<16xi1>
          %broadcast_in_dim3A_160 = arith.constant 16 : i32
          %broadcast_in_dim3A_161 = vector.broadcast %broadcast_in_dim3A_160 : i32 to vector<16xi32>
          tpu.vector_store_idx %arg8[%add3A_126, %broadcast_in_dim3A_161], %broadcast_in_dim3A_127 masked %eq3A_110 : memref<128x32xi32, #tpu.memory_space<vmem>>[vector<16xi32>, vector<16xi32>], vector<16xi32>, vector<16xi1>
          %broadcast_in_dim3A_162 = arith.constant 17 : i32
          %broadcast_in_dim3A_163 = vector.broadcast %broadcast_in_dim3A_162 : i32 to vector<16xi32>
          tpu.vector_store_idx %arg8[%add3A_126, %broadcast_in_dim3A_163], %broadcast_in_dim3A_127 masked %eq3A_110 : memref<128x32xi32, #tpu.memory_space<vmem>>[vector<16xi32>, vector<16xi32>], vector<16xi32>, vector<16xi1>
          %broadcast_in_dim3A_164 = arith.constant 18 : i32
          %broadcast_in_dim3A_165 = vector.broadcast %broadcast_in_dim3A_164 : i32 to vector<16xi32>
          tpu.vector_store_idx %arg8[%add3A_126, %broadcast_in_dim3A_165], %broadcast_in_dim3A_127 masked %eq3A_110 : memref<128x32xi32, #tpu.memory_space<vmem>>[vector<16xi32>, vector<16xi32>], vector<16xi32>, vector<16xi1>
          %broadcast_in_dim3A_166 = arith.constant 19 : i32
          %broadcast_in_dim3A_167 = vector.broadcast %broadcast_in_dim3A_166 : i32 to vector<16xi32>
          tpu.vector_store_idx %arg8[%add3A_126, %broadcast_in_dim3A_167], %broadcast_in_dim3A_127 masked %eq3A_110 : memref<128x32xi32, #tpu.memory_space<vmem>>[vector<16xi32>, vector<16xi32>], vector<16xi32>, vector<16xi1>
          %broadcast_in_dim3A_168 = arith.constant 20 : i32
          %broadcast_in_dim3A_169 = vector.broadcast %broadcast_in_dim3A_168 : i32 to vector<16xi32>
          tpu.vector_store_idx %arg8[%add3A_126, %broadcast_in_dim3A_169], %broadcast_in_dim3A_127 masked %eq3A_110 : memref<128x32xi32, #tpu.memory_space<vmem>>[vector<16xi32>, vector<16xi32>], vector<16xi32>, vector<16xi1>
          %broadcast_in_dim3A_170 = arith.constant 21 : i32
          %broadcast_in_dim3A_171 = vector.broadcast %broadcast_in_dim3A_170 : i32 to vector<16xi32>
          tpu.vector_store_idx %arg8[%add3A_126, %broadcast_in_dim3A_171], %broadcast_in_dim3A_127 masked %eq3A_110 : memref<128x32xi32, #tpu.memory_space<vmem>>[vector<16xi32>, vector<16xi32>], vector<16xi32>, vector<16xi1>
          %broadcast_in_dim3A_172 = arith.constant 22 : i32
          %broadcast_in_dim3A_173 = vector.broadcast %broadcast_in_dim3A_172 : i32 to vector<16xi32>
          tpu.vector_store_idx %arg8[%add3A_126, %broadcast_in_dim3A_173], %broadcast_in_dim3A_127 masked %eq3A_110 : memref<128x32xi32, #tpu.memory_space<vmem>>[vector<16xi32>, vector<16xi32>], vector<16xi32>, vector<16xi1>
          %broadcast_in_dim3A_174 = arith.constant 23 : i32
          %broadcast_in_dim3A_175 = vector.broadcast %broadcast_in_dim3A_174 : i32 to vector<16xi32>
          tpu.vector_store_idx %arg8[%add3A_126, %broadcast_in_dim3A_175], %broadcast_in_dim3A_127 masked %eq3A_110 : memref<128x32xi32, #tpu.memory_space<vmem>>[vector<16xi32>, vector<16xi32>], vector<16xi32>, vector<16xi1>
          %broadcast_in_dim3A_176 = arith.constant 24 : i32
          %broadcast_in_dim3A_177 = vector.broadcast %broadcast_in_dim3A_176 : i32 to vector<16xi32>
          tpu.vector_store_idx %arg8[%add3A_126, %broadcast_in_dim3A_177], %broadcast_in_dim3A_127 masked %eq3A_110 : memref<128x32xi32, #tpu.memory_space<vmem>>[vector<16xi32>, vector<16xi32>], vector<16xi32>, vector<16xi1>
          %broadcast_in_dim3A_178 = arith.constant 25 : i32
          %broadcast_in_dim3A_179 = vector.broadcast %broadcast_in_dim3A_178 : i32 to vector<16xi32>
          tpu.vector_store_idx %arg8[%add3A_126, %broadcast_in_dim3A_179], %broadcast_in_dim3A_127 masked %eq3A_110 : memref<128x32xi32, #tpu.memory_space<vmem>>[vector<16xi32>, vector<16xi32>], vector<16xi32>, vector<16xi1>
          %broadcast_in_dim3A_180 = arith.constant 26 : i32
          %broadcast_in_dim3A_181 = vector.broadcast %broadcast_in_dim3A_180 : i32 to vector<16xi32>
          tpu.vector_store_idx %arg8[%add3A_126, %broadcast_in_dim3A_181], %broadcast_in_dim3A_127 masked %eq3A_110 : memref<128x32xi32, #tpu.memory_space<vmem>>[vector<16xi32>, vector<16xi32>], vector<16xi32>, vector<16xi1>
          %broadcast_in_dim3A_182 = arith.constant 27 : i32
          %broadcast_in_dim3A_183 = vector.broadcast %broadcast_in_dim3A_182 : i32 to vector<16xi32>
          tpu.vector_store_idx %arg8[%add3A_126, %broadcast_in_dim3A_183], %broadcast_in_dim3A_127 masked %eq3A_110 : memref<128x32xi32, #tpu.memory_space<vmem>>[vector<16xi32>, vector<16xi32>], vector<16xi32>, vector<16xi1>
          %broadcast_in_dim3A_184 = arith.constant 28 : i32
          %broadcast_in_dim3A_185 = vector.broadcast %broadcast_in_dim3A_184 : i32 to vector<16xi32>
          tpu.vector_store_idx %arg8[%add3A_126, %broadcast_in_dim3A_185], %broadcast_in_dim3A_127 masked %eq3A_110 : memref<128x32xi32, #tpu.memory_space<vmem>>[vector<16xi32>, vector<16xi32>], vector<16xi32>, vector<16xi1>
          %broadcast_in_dim3A_186 = arith.constant 29 : i32
          %broadcast_in_dim3A_187 = vector.broadcast %broadcast_in_dim3A_186 : i32 to vector<16xi32>
          tpu.vector_store_idx %arg8[%add3A_126, %broadcast_in_dim3A_187], %broadcast_in_dim3A_127 masked %eq3A_110 : memref<128x32xi32, #tpu.memory_space<vmem>>[vector<16xi32>, vector<16xi32>], vector<16xi32>, vector<16xi1>
          %broadcast_in_dim3A_188 = arith.constant 30 : i32
          %broadcast_in_dim3A_189 = vector.broadcast %broadcast_in_dim3A_188 : i32 to vector<16xi32>
          tpu.vector_store_idx %arg8[%add3A_126, %broadcast_in_dim3A_189], %broadcast_in_dim3A_127 masked %eq3A_110 : memref<128x32xi32, #tpu.memory_space<vmem>>[vector<16xi32>, vector<16xi32>], vector<16xi32>, vector<16xi1>
          %broadcast_in_dim3A_190 = arith.constant 31 : i32
          %broadcast_in_dim3A_191 = vector.broadcast %broadcast_in_dim3A_190 : i32 to vector<16xi32>
          tpu.vector_store_idx %arg8[%add3A_126, %broadcast_in_dim3A_191], %broadcast_in_dim3A_127 masked %eq3A_110 : memref<128x32xi32, #tpu.memory_space<vmem>>[vector<16xi32>, vector<16xi32>], vector<16xi32>, vector<16xi1>
        } else {
        }
      }
      %scan3A_91 = arith.constant 8 : i32
      %scan3A_92 = arith.constant 0 : i32
      %scan3A_93 = arith.constant 0 : i32
      %scan3A_94 = arith.constant 128 : i32
      %scan3A_95 = arith.addi %scan3A_93, %scan3A_94 : i32
      %scan3A_96 = arith.constant 1 : i32
      scf.for %scan3A_105 = %scan3A_93 to %scan3A_95 step %scan3A_96  : i32 {
        %get3A = arith.index_cast %scan3A_105 : i32 to index
        %get3A_106 = arith.constant 0 : index
        %get3A_107 = tpu.vector_load %arg8[%get3A, %get3A_106] {strides = array<i32>} : memref<128x32xi32, #tpu.memory_space<vmem>>, vector<16xi32>,
        %mul3A_108 = arith.constant 32 : i32
        %mul3A_109 = arith.muli %scan3A_105, %mul3A_108 : i32
        %add3A_110 = arith.constant 0 : i32
        %add3A_111 = arith.addi %mul3A_109, %add3A_110 : i32
        %swap3A = arith.index_cast %add3A_111 : i32 to index
        %swap3A_112 = tpu.vector_load %arg10[%swap3A] {strides = array<i32>} : memref<4096xi32, #tpu.memory_space<vmem>>, vector<16xi32>,
        tpu.vector_store %arg10[%swap3A], %get3A_107 {strides = array<i32>} : memref<4096xi32, #tpu.memory_space<vmem>>, vector<16xi32>,
        %get3A_113 = arith.index_cast %scan3A_105 : i32 to index
        %get3A_114 = arith.constant 16 : index
        %get3A_115 = tpu.vector_load %arg8[%get3A_113, %get3A_114] {strides = array<i32>} : memref<128x32xi32, #tpu.memory_space<vmem>>, vector<16xi32>,
        %mul3A_116 = arith.constant 32 : i32
        %mul3A_117 = arith.muli %scan3A_105, %mul3A_116 : i32
        %add3A_118 = arith.constant 16 : i32
        %add3A_119 = arith.addi %mul3A_117, %add3A_118 : i32
        %swap3A_120 = arith.index_cast %add3A_119 : i32 to index
        %swap3A_121 = tpu.vector_load %arg10[%swap3A_120] {strides = array<i32>} : memref<4096xi32, #tpu.memory_space<vmem>>, vector<16xi32>,
        tpu.vector_store %arg10[%swap3A_120], %get3A_115 {strides = array<i32>} : memref<4096xi32, #tpu.memory_space<vmem>>, vector<16xi32>,
      }
      %scan3A_97 = arith.constant 128 : i32
      %mul3A_98 = arith.constant 128 : i32
      %mul3A_99 = arith.muli %add3A_68, %mul3A_98 : i32
      %add3A_100 = arith.addi %mul3A_2, %mul3A_99 : i32
      %mul3A_101 = arith.constant 32 : i32
      %mul3A_102 = arith.muli %add3A_100, %mul3A_101 : i32
      %dma_start3A_103 = tpu.memref_slice %arg4[%mul3A_102] : memref<26214400xi32, #tpu.memory_space<hbm>> -> memref<4096xi32, #tpu.memory_space<hbm>>
      %dma_start3A_104 = tpu.memref_slice %arg4[%mul3A_102] : memref<26214400xi32, #tpu.memory_space<hbm>> -> memref<4096xi32, #tpu.memory_space<hbm>>
      tpu.enqueue_dma source(%arg10 : memref<4096xi32, #tpu.memory_space<vmem>>) target(%dma_start3A_104 : memref<4096xi32, #tpu.memory_space<hbm>>) target_semaphore(%arg16 : memref<!tpu.dma_semaphore, #tpu.memory_space<semaphore_mem>>)
    }
    %scan3A_18 = arith.constant 100 : i32
    %mul3A_19 = arith.constant 32 : i32
    %mul3A_20 = arith.muli %mul3A_2, %mul3A_19 : i32
    %dma_wait3A_21 = tpu.memref_slice %arg4[%mul3A_20] : memref<26214400xi32, #tpu.memory_space<hbm>> -> memref<4096xi32, #tpu.memory_space<hbm>>
    %dma_wait3A_22 = tpu.memref_slice %arg4[%mul3A_20] : memref<26214400xi32, #tpu.memory_space<hbm>> -> memref<4096xi32, #tpu.memory_space<hbm>>
    tpu.wait_dma2 semaphore(%arg15 : memref<!tpu.dma_semaphore, #tpu.memory_space<semaphore_mem>>) src(%arg9 : memref<4096xi32, #tpu.memory_space<vmem>>) dst(%dma_wait3A_22 : memref<4096xi32, #tpu.memory_space<hbm>>)
    %mul3A_23 = arith.constant 32 : i32
    %mul3A_24 = arith.muli %mul3A_2, %mul3A_23 : i32
    %dma_wait3A_25 = tpu.memref_slice %arg4[%mul3A_24] : memref<26214400xi32, #tpu.memory_space<hbm>> -> memref<4096xi32, #tpu.memory_space<hbm>>
    %dma_wait3A_26 = tpu.memref_slice %arg4[%mul3A_24] : memref<26214400xi32, #tpu.memory_space<hbm>> -> memref<4096xi32, #tpu.memory_space<hbm>>
    tpu.wait_dma2 semaphore(%arg16 : memref<!tpu.dma_semaphore, #tpu.memory_space<semaphore_mem>>) src(%arg10 : memref<4096xi32, #tpu.memory_space<vmem>>) dst(%dma_wait3A_26 : memref<4096xi32, #tpu.memory_space<hbm>>)
    return
  }
}

module attributes {stable_mosaic.version = 14 : i64} {
  func.func @body(%arg0: i32, %arg1: memref<4096x32xi32, #tpu.memory_space<vmem>>, %arg2: memref<1x1x4096xi32, #tpu.memory_space<vmem>>, %arg3: memref<1x1x4096xi32, #tpu.memory_space<vmem>>, %arg4: memref<200x64xbf16, #tpu.memory_space<vmem>>, %arg5: memref<200x64xbf16, #tpu.memory_space<vmem>>, %arg6: memref<4096x64xf32, #tpu.memory_space<vmem>>) attributes {dimension_semantics = [#tpu.dimension_semantics<arbitrary>], iteration_bounds = array<i64: 200>, scalar_prefetch = 0 : i64, scratch_operands = 0 : i64, tpu.core_type = #tpu.core_type<tc>, window_params = [{transform_indices = @transform_0, window_bounds = array<i64: 4096, 32>}, {transform_indices = @transform_1, window_bounds = array<i64: 1, 1, 4096>}, {transform_indices = @transform_2, window_bounds = array<i64: 1, 1, 4096>}, {pipeline_mode = #tpu.pipeline_mode<synchronous>, transform_indices = @transform_3, window_bounds = array<i64: 200, 64>}, {pipeline_mode = #tpu.pipeline_mode<synchronous>, transform_indices = @transform_4, window_bounds = array<i64: 200, 64>}, {transform_indices = @transform_5, window_bounds = array<i64: 4096, 64>}]} {
    %get3A = arith.constant 0 : index
    %get3A_0 = arith.constant 0 : index
    %get3A_1 = vector.load %arg1[%get3A, %get3A_0] : memref<4096x32xi32, #tpu.memory_space<vmem>>, vector<4096x32xi32>
    %shift_left3A = arith.constant 16 : i32
    %shift_left3A_2 = vector.broadcast %shift_left3A : i32 to vector<4096x32xi32>
    %shift_left3A_3 = arith.shli %get3A_1, %shift_left3A_2 : vector<4096x32xi32>
    %bitcast_convert_type3A = tpu.bitcast %shift_left3A_3 : vector<4096x32xi32> -> vector<4096x32xf32>
    %and3A = arith.constant -65536 : i32
    %and3A_4 = vector.broadcast %and3A : i32 to vector<4096x32xi32>
    %and3A_5 = arith.andi %get3A_1, %and3A_4 : vector<4096x32xi32>
    %bitcast_convert_type3A_6 = tpu.bitcast %and3A_5 : vector<4096x32xi32> -> vector<4096x32xf32>
    %concatenate3A = tpu.concatenate %bitcast_convert_type3A, %bitcast_convert_type3A_6 in 1 : vector<4096x32xf32>, vector<4096x32xf32> -> vector<4096x64xf32>
    %get3A_7 = arith.constant 0 : index
    %get3A_8 = arith.constant 0 : index
    %get3A_9 = arith.constant 0 : index
    %get3A_10 = vector.load %arg2[%get3A_7, %get3A_8, %get3A_9] : memref<1x1x4096xi32, #tpu.memory_space<vmem>>, vector<1x1x4096xi32>
    %get3A_11 = vector.shape_cast %get3A_10 : vector<1x1x4096xi32> to vector<4096xi32>
    %get3A_12 = arith.constant 0 : index
    %get3A_13 = arith.constant 0 : index
    %get3A_14 = arith.constant 0 : index
    %get3A_15 = vector.load %arg3[%get3A_12, %get3A_13, %get3A_14] : memref<1x1x4096xi32, #tpu.memory_space<vmem>>, vector<1x1x4096xi32>
    %get3A_16 = vector.shape_cast %get3A_15 : vector<1x1x4096xi32> to vector<4096xi32>
    %iota3A = tpu.iota {dimensions = array<i32: 1>} : vector<4096x200xi32>
    %iota3A_17 = tpu.iota {dimensions = array<i32: 1>} : vector<4096x200xi32>
    %broadcast_in_dim3A = vector.shape_cast %get3A_11 : vector<4096xi32> to vector<4096x1xi32>
    %eq3A = vector.broadcast %broadcast_in_dim3A : vector<4096x1xi32> to vector<4096x200xi32>
    %eq3A_18 = arith.cmpi eq, %iota3A, %eq3A : vector<4096x200xi32>
    %convert_element_type3A = arith.extui %eq3A_18 : vector<4096x200xi1> to vector<4096x200xi32>
    %convert_element_type3A_19 = arith.sitofp %convert_element_type3A : vector<4096x200xi32> to vector<4096x200xf32>
    %convert_element_type3A_20 = arith.truncf %convert_element_type3A_19 : vector<4096x200xf32> to vector<4096x200xbf16>
    %broadcast_in_dim3A_21 = vector.shape_cast %get3A_16 : vector<4096xi32> to vector<4096x1xi32>
    %eq3A_22 = vector.broadcast %broadcast_in_dim3A_21 : vector<4096x1xi32> to vector<4096x200xi32>
    %eq3A_23 = arith.cmpi eq, %iota3A_17, %eq3A_22 : vector<4096x200xi32>
    %convert_element_type3A_24 = arith.extui %eq3A_23 : vector<4096x200xi1> to vector<4096x200xi32>
    %convert_element_type3A_25 = arith.sitofp %convert_element_type3A_24 : vector<4096x200xi32> to vector<4096x200xf32>
    %convert_element_type3A_26 = arith.truncf %convert_element_type3A_25 : vector<4096x200xf32> to vector<4096x200xbf16>
    %get3A_27 = arith.constant 0 : index
    %get3A_28 = arith.constant 0 : index
    %get3A_29 = vector.load %arg4[%get3A_27, %get3A_28] : memref<200x64xbf16, #tpu.memory_space<vmem>>, vector<200x64xbf16>
    %dot_general3A = arith.constant dense<0.000000e+00> : vector<4096x64xf32>
    %dot_general3A_30 = tpu.matmul %convert_element_type3A_20, %get3A_29, %dot_general3A {dimension_numbers = #tpu.dot_dimension_numbers<[1], [0], [0], [1], [0, 0, 1, 1], [], []>, transpose_lhs_hint = false} : vector<4096x200xbf16>, vector<200x64xbf16>, vector<4096x64xf32> -> vector<4096x64xf32>
    %get3A_31 = arith.constant 0 : index
    %get3A_32 = arith.constant 0 : index
    %get3A_33 = vector.load %arg5[%get3A_31, %get3A_32] : memref<200x64xbf16, #tpu.memory_space<vmem>>, vector<200x64xbf16>
    %dot_general3A_34 = arith.constant dense<0.000000e+00> : vector<4096x64xf32>
    %dot_general3A_35 = tpu.matmul %convert_element_type3A_26, %get3A_33, %dot_general3A_34 {dimension_numbers = #tpu.dot_dimension_numbers<[1], [0], [0], [1], [0, 0, 1, 1], [], []>, transpose_lhs_hint = false} : vector<4096x200xbf16>, vector<200x64xbf16>, vector<4096x64xf32> -> vector<4096x64xf32>
    %add3A = arith.addf %concatenate3A, %dot_general3A_30 : vector<4096x64xf32>
    %add3A_36 = arith.addf %add3A, %dot_general3A_35 : vector<4096x64xf32>
    %swap3A = arith.constant 0 : index
    %swap3A_37 = arith.constant 0 : index
    %swap3A_38 = vector.load %arg6[%swap3A, %swap3A_37] : memref<4096x64xf32, #tpu.memory_space<vmem>>, vector<4096x64xf32>
    tpu.vector_store %arg6[%swap3A, %swap3A_37], %add3A_36 {strides = array<i32>} : memref<4096x64xf32, #tpu.memory_space<vmem>>, vector<4096x64xf32>,
    return
  }
  func.func @transform_0(%arg0: i32) -> (i32, i32) {
    %c0_i32 = arith.constant 0 : i32
    %c0_i32_0 = arith.constant 0 : i32
    return %arg0, %c0_i32 : i32, i32
  }
  func.func @transform_1(%arg0: i32) -> (i32, i32, i32) {
    %c0_i32 = arith.constant 0 : i32
    %c0_i32_0 = arith.constant 0 : i32
    %c0_i32_1 = arith.constant 0 : i32
    return %arg0, %c0_i32, %c0_i32_0 : i32, i32, i32
  }
  func.func @transform_2(%arg0: i32) -> (i32, i32, i32) {
    %c0_i32 = arith.constant 0 : i32
    %c0_i32_0 = arith.constant 0 : i32
    %c0_i32_1 = arith.constant 0 : i32
    return %arg0, %c0_i32, %c0_i32_0 : i32, i32, i32
  }
  func.func @transform_3(%arg0: i32) -> (i32, i32) {
    %c0_i32 = arith.constant 0 : i32
    %c0_i32_0 = arith.constant 0 : i32
    %c0_i32_1 = arith.constant 0 : i32
    return %c0_i32, %c0_i32_0 : i32, i32
  }
  func.func @transform_4(%arg0: i32) -> (i32, i32) {
    %c0_i32 = arith.constant 0 : i32
    %c0_i32_0 = arith.constant 0 : i32
    %c0_i32_1 = arith.constant 0 : i32
    return %c0_i32, %c0_i32_0 : i32, i32
  }
  func.func @transform_5(%arg0: i32) -> (i32, i32) {
    %c0_i32 = arith.constant 0 : i32
    %c0_i32_0 = arith.constant 0 : i32
    return %arg0, %c0_i32 : i32, i32
  }
}

</mosaic_0001>

<sc_bundles>
// kernel: kernel.4.cloned.1.call-start
scs
__scs_entry_jumppad:
0x0: {  	(pc) =	sbr.rel $0x88, $3  }
0x1: {  	(tag) =	ssettag $0x0;
	lr =	simm.s32 $0x1  }
0x2: {  	[smem:$0x3F9B] =	sst lr;
	_ =	strace $0xD0000000  }
0x3: {  	_ = 	snop  }
0x4: {  	_ = 	snop  }
0x5: {  	_ = 	snop  }
0x6: {  	_ = 	snop  }
0x7: {  	_ = 	snop  }
__scs_overlays_trampoline_lowered:
0x8: {  	[smem:$0x3FAA] =	sst s0  }
0x9: {  	[smem:$0x3FAB] =	sst s1  }
0xa: {  	[smem:$0x3FAC] =	sst s2  }
0xb: {  	[smem:$0x3FAD] =	sst s3  }
0xc: {  	[smem:$0x3FAE] =	sst s4  }
0xd: {  	[smem:$0x3FAF] =	sst s5  }
0xe: {  	[smem:$0x3FB0] =	sst s6  }
0xf: {  	[smem:$0x3FB1] =	sst s7  }
0x10: {  	[smem:$0x3FB2] =	sst s8  }
0x11: {  	[smem:$0x3FB3] =	sst s9;
	s0 =	simm.s32 @!p0 $0x0  }
0x12: {  	s1 =	sld [smem:$0x3F99];
	s0 =	simm.s32 @p0 $0x1  }
0x13: {  	[smem:$0x3FB4] =	sst s0;
	s0 =	simm.s32 @!p1 $0x0  }
0x14: {  	s2 =	sld [smem:$0x3F98];
	s0 =	simm.s32 @p1 $0x1  }
0x15: {  	[smem:$0x3FB5] =	sst s0;
	s0 =	simm.s32 @!p2 $0x0  }
0x16: {  	s3 =	sld [smem:$0x3FDB];
	s0 =	simm.s32 @p2 $0x1  }
0x17: {  	s4 =	simm.s32 $0x1BF5;
	[smem:$0x3FB7] =	sst s0  }
0x18: {  	s0 =	sld [smem:$0x3F9A];
	_ =	swait.ge [sflag:s4], $0x0  }
0x19: {  	s7 =	sld [smem:$0x3F9B]  }
0x1a: {  	s8 =	sadd.s32 $0xFFFFE003, lr  }
0x1b: {  	s9 =	sadd.s32 $0xFFFFFEF7, lr;
	s5 =	simm.s32 $0xFFFFFFFF;
	p2 =	slt.u32 s8, $0xFFFFF086  }
0x1c: {  	p1 =	slt.u32 s9, $0xF7A;
	s5 =	simm.s32 @!p2 $0x0  }
0x1d: {  	s5 =	simm.s32 @p1 $0x1;
	p0 =	seq.s32 s7, s2  }
0x1e: {  	s7 =	smul.u32 @!p0 $0xF7A, s2;
	p2 =	seq.s32 @!p0 s5, $0x0  }
0x1f: {  	s9 =	smul.u32 $0xF7A, s1;
	s8 =	simm.s32 @!p0 $0x1BF5;
	p2 =	por !p2, p0  }
0x20: {  	[sflag:s8] =	ssyncset.s32 @!p0 $0xFFFFF086;
	s6 =	sadd.s32 @!p0 s3, s7;
	s7 =	simm.s32 @!p0 $0x108  }
0x21: {  	s3 =	sadd.s32 s3, s9;
	s6 =	sadd.s32 @!p0 $0x88, s6;
	s7 =	simm.s32 @p2 $0x1082  }
0x22: {  	[simem:s7], [sflag:s8] =	dma.local @!p0 [hbm:s6], $0xF7A  }
0x23: {  	s9 =	sor.u32 $0xD0000000, s2;
	s6 =	simm.s32 $0x108;
	_ =	swait.ge @!p0 [sflag:s8], $0x0  }
0x24: {  	s3 =	sadd.s32 $0x88, s3;
	s6 =	simm.s32 @!p1 $0x1082;
	[sflag:s4] =	ssyncset.s32 $0xFFFFF086  }
0x25: {  	[simem:s6], [sflag:s4] =	dma.local [hbm:s3], $0xF7A  }
0x26: {  	[smem:$0x3F9B] =	sst s1;
	(tag) =	ssettag s2;
	_ =	strace s9  }
0x27: {  	s1 =	sld [smem:$0x3FAB]  }
0x28: {  	s2 =	sld [smem:$0x3FAC]  }
0x29: {  	s4 =	sld [smem:$0x3FAE]  }
0x2a: {  	p0 =	seq.s32 s5, $0x0;
	s5 =	sld [smem:$0x3FAF]  }
0x2b: {  	s6 =	sld [smem:$0x3FB0]  }
0x2c: {  	s7 =	sld [smem:$0x3FB1]  }
0x2d: {  	s3 =	simm.s32 $0x108;
	s8 =	sld [smem:$0x3FB2]  }
0x2e: {  	s3 =	simm.s32 @!p0 $0x1082;
	s9 =	sld [smem:$0x3FB3]  }
0x2f: {  	lr =	sadd.s32 s0, s3;
	s0 =	sld [smem:$0x3FAA]  }
0x30: {  	s3 =	sld [smem:$0x3FAD]  }
0x31: {  	[smem:$0x3FB6] =	sst s10  }
0x32: {  	s10 =	sld [smem:$0x3FB4];
	_ =	sdelay $0x3  }
0x33: {  	p0 =	seq.s32 s10, $0x1;
	s10 =	sld [smem:$0x3FB6];
	_ =	sdelay $0x3  }
0x34: {  	[smem:$0x3FB6] =	sst s10  }
0x35: {  	s10 =	sld [smem:$0x3FB5];
	_ =	sdelay $0x3  }
0x36: {  	p1 =	seq.s32 s10, $0x1;
	s10 =	sld [smem:$0x3FB6];
	_ =	sdelay $0x3  }
0x37: {  	[smem:$0x3FB6] =	sst s10  }
0x38: {  	s10 =	sld [smem:$0x3FB7]  }
0x39: {  	_ = 	snop;
	(pc) =	sbr.ind lr, $3  }
0x3a: {  	_ = 	snop  }
0x3b: {  	_ = 	snop  }
0x3c: {  	p2 =	seq.s32 s10, $0x1;
	s10 =	sld [smem:$0x3FB6]  }
0x3d: {  	_ =	shalt  }
0x3e: {  	_ =	shalt  }
0x3f: {  	_ =	shalt  }
0x40: {  	_ =	shalt  }
0x41: {  	_ =	shalt  }
0x42: {  	_ =	shalt  }
0x43: {  	_ =	shalt  }
0x44: {  	_ =	shalt  }
0x45: {  	_ =	shalt  }
0x46: {  	_ =	shalt  }
0x47: {  	_ =	shalt  }
0x48: {  	_ =	shalt  }
0x49: {  	_ =	shalt  }
0x4a: {  	_ =	shalt  }
0x4b: {  	_ =	shalt  }
0x4c: {  	_ =	shalt  }
0x4d: {  	_ =	shalt  }
0x4e: {  	_ =	shalt  }
0x4f: {  	_ =	shalt  }
0x50: {  	_ =	shalt  }
0x51: {  	_ =	shalt  }
0x52: {  	_ =	shalt  }
0x53: {  	_ =	shalt  }
0x54: {  	_ =	shalt  }
0x55: {  	_ =	shalt  }
0x56: {  	_ =	shalt  }
0x57: {  	_ =	shalt  }
0x58: {  	_ =	shalt  }
0x59: {  	_ =	shalt  }
0x5a: {  	_ =	shalt  }
0x5b: {  	_ =	shalt  }
0x5c: {  	_ =	shalt  }
0x5d: {  	_ =	shalt  }
0x5e: {  	_ =	shalt  }
0x5f: {  	_ =	shalt  }
0x60: {  	_ =	shalt  }
0x61: {  	_ =	shalt  }
0x62: {  	_ =	shalt  }
0x63: {  	_ =	shalt  }
0x64: {  	_ =	shalt  }
0x65: {  	_ =	shalt  }
0x66: {  	_ =	shalt  }
0x67: {  	_ =	shalt  }
0x68: {  	_ =	shalt  }
0x69: {  	_ =	shalt  }
0x6a: {  	_ =	shalt  }
0x6b: {  	_ =	shalt  }
0x6c: {  	_ =	shalt  }
0x6d: {  	_ =	shalt  }
0x6e: {  	_ =	shalt  }
0x6f: {  	_ =	shalt  }
0x70: {  	_ =	shalt  }
0x71: {  	_ =	shalt  }
0x72: {  	_ =	shalt  }
0x73: {  	_ =	shalt  }
0x74: {  	_ =	shalt  }
0x75: {  	_ =	shalt  }
0x76: {  	_ =	shalt  }
0x77: {  	_ =	shalt  }
0x78: {  	_ =	shalt  }
0x79: {  	_ =	shalt  }
0x7a: {  	_ =	shalt  }
0x7b: {  	_ =	shalt  }
0x7c: {  	_ =	shalt  }
0x7d: {  	_ =	shalt  }
0x7e: {  	_ =	shalt  }
0x7f: {  	_ =	shalt  }
0x80: {  	_ =	shalt  }
0x81: {  	_ =	shalt  }
0x82: {  	_ =	shalt  }
0x83: {  	_ =	shalt  }
0x84: {  	_ =	shalt  }
0x85: {  	_ =	shalt  }
0x86: {  	_ =	shalt  }
0x87: {  	_ =	shalt  }
.Lfunc_end0:
.L_simem_size_0:
called_computation.2_lowered:
.L_overlay_start_0:
0x88: {  	s2 =	sld [smem:$0x3FD9]  }
0x89: {  	s3 =	sld [smem:$0x3FFE];
	_ =	sdelay $0x1  }
0x8a: {  	s1 =	srdreg.scid  }
0x8b: {  	s0 =	sand.u32 $0x1, s1  }
0x8c: {  	s17 =	sshll.u32 s0, $0xA;
	s2 =	sadd.s32 s3, s2  }
0x8d: {  	s2 =	sadd.s32 s2, s17  }
0x8e: {  	[smem:$0x3FC2] =	sst s2  }
0x8f: {  	_ = 	snop  }
0x90: {  	s2 =	sld [smem:$0x3FD0];
	(tm) =	ssettm $0x1  }
0x91: {  	s18 =	sld [smem:$0x3FFB];
	_ =	sdelay $0x3  }
0x92: {  	_ =	strace s18  }
0x93: {  	s3 =	sld [smem:$0x3FFC];
	_ =	sdelay $0x3  }
0x94: {  	_ =	strace s3  }
0x95: {  	s3 =	sld [smem:$0x3FFD];
	_ =	sdelay $0x3  }
0x96: {  	_ =	strace s3  }
0x97: {  	_ =	strace $0x8FFFFFFF  }
0x98: {  	s19 =	sld [smem:$0x3FDB];
	_ =	sdelay $0x1  }
0x99: {  	s4 =	simm.s32 $_scs_section_size  }
0x9a: {  	s5 =	simm.s32 $_size__tile_overlayer_lowered;
	s6 =	simm.s32 $_tile_overlayer_lowered  }
0x9b: {  	s22 =	simm.s32 $0x1BFF;
	s21 =	sshll.u32 s6, $0x1;
	s3 =	sadd.s32 s4, s19  }
0x9c: {  	s7 =	simm.s32 $0x0;
	s20 =	sshll.u32 s5, $0x1;
	s5 =	sadd.s32 s21, s3  }
0x9d: {  	[timem:s7], [sflag:s22] =	dma.local [hbm:s5], s20  }
0x9e: {  	_ =	swait.ge [sflag:s22], s20  }
0x9f: {  	s4 =	ssub.s32 $0x0, s20;
	[sflag:s22] =	ssyncset.done $0x0  }
0xa0: {  	[sflag:s22] =	ssyncadd.s32 s4;
	_ =	sdelay $0x1  }
0xa1: {  	s23 =	simm.s32 $0x1B8B  }
0xa2: {  	_ =	swait.ge [sflag:s23], $0x1  }
0xa3: {  	[sflag:s23] =	ssyncset.done $0x0  }
0xa4: {  	s25 =	simm.s32 $0x1B8E;
	s24 =	sld [smem:$0x3FFE];
	[sflag:s23] =	ssyncadd.s32 $0xFFFFFFFF  }
0xa5: {  	s26 =	simm.s32 $execute0_lowered;
	[smem:$0x3FD2] =	sst s25  }
0xa6: {  	s5 =	sshll.u32 s26, $0x1;
	_ =	strace $0x80000049;
	[dreg:$0x1] =	wrdreg $0xFFFFFFFF  }
0xa7: {  	s28 =	simm.s32 $_size_execute0_lowered;
	s3 =	sadd.s32 s3, s5;
	[dreg:$0x0] =	wrdreg $0x0  }
0xa8: {  	s5 =	sshll.u32 s28, $0x1;
	[dreg:$0x2] =	wrdreg s3  }
0xa9: {  	[dreg:$0x3] =	wrdreg s5  }
0xaa: {  	[dreg:$0x4] =	wrdreg $0xC0  }
0xab: {  	_ =	task [dreg:s7], $0x5FFFF  }
0xac: {  	[dreg:$0x1] =	wrdreg $0xFFFFFFFF  }
0xad: {  	[dreg:$0x0] =	wrdreg $0x60  }
0xae: {  	[dreg:$0x2] =	wrdreg s24  }
0xaf: {  	[dreg:$0x3] =	wrdreg s2  }
0xb0: {  	[dreg:$0x4] =	wrdreg $0x9  }
0xb1: {  	_ =	task.clear_ibuf [dreg:s7], $0x5FFFF;
	_ =	strace $0x90000049  }
0xb2: {  	s29 =	simm.s32 $0x9;
	_ =	strace $0x8000004B  }
0xb3: {  	_ =	swait.ge [sflag:s29], $0x1  }
0xb4: {  	[sflag:s29] =	ssyncadd.s32 $0xFFFFFFFF  }
0xb5: {  	_ =	strace $0x9000004B  }
0xb6: {  	_ =	sfence  }
0xb7: {  	s30 =	sld [smem:$0x0];
	_ =	sdelay $0x2  }
0xb8: {  	s31 =	sshll.u32 s1, $0xD;
	s1 =	sshrl.u32 s1, $0x2  }
0xb9: {  	s3 =	sand.u32 $0x4000, s31;
	s1 =	sadd.s32 s1, s30  }
0xba: {  	s0 =	sor.u32 s3, s0;
	s1 =	sshll.u32 s1, $0x11  }
0xbb: {  	s0 =	sor.u32 s1, s0  }
0xbc: {  	s0 =	sadd.s32 $0x8F2B, s0  }
0xbd: {  	[sflag:s0] =	ssyncadd.remote.s32 $0x1  }
0xbe: {  	_ =	sfence.sel $0xFFFF  }
0xbf: {  	[dreg:$0x0] =	wrdreg $0xFFFFFFFF;
	(pc) =	sbr.abs _section_cstart, $3  }
0xc0: {  	[dreg:$0x1] =	wrdreg $0xFFFFFFFF  }
0xc1: {  	_ =	task.clear_ibuf [dreg:s7], $0x2FFFF;
	_ =	strace $0x9FFFFFFF  }
0xc2: {  	(tm) =	ssettm $0x7FFFFFFF  }
0xc3: {  	_ =	shalt  }
tec
execute0_lowered:
.L_overlay_start_1:
0x0: {  	(tag) =	ssettag $0x1  }
0x1: {  	s7 =	rddreg [dreg:$0x0]  }
0x2: {  	s1 =	srdreg.scid;
	s0 =	stileid.u32  }
0x3: {  	s2 =	rddreg [dreg:$0x1];
	s3 =	simm.s32 $0x0;
	s13 =	simm.s32 $0x80  }
0x4: {  	s14 =	simm.s32 $0x1;
	s15 =	simm.s32 $0x100;
	s16 =	simm.s32 $0x2  }
0x5: {  	s17 =	simm.s32 $0x1100;
	s18 =	simm.s32 $0x3;
	s19 =	simm.s32 $0x2100  }
0x6: {  	s20 =	simm.s32 $0x3100;
	s21 =	simm.s32 $0x5;
	s22 =	simm.s32 $0x6  }
0x7: {  	s5 =	sand.u32 $0x1, s1;
	s4 =	sshll.u32 s0, $0x1;
	s1 =	rddreg [dreg:$0x2]  }
0x8: {  	s23 =	simm.s32 $0x0;
	[smem:$0x7FF] =	sst s3;
	s6 =	sor.u32 s5, s4  }
0x9: {  	_ =	strace $0x8000004A;
	s8 =	ssub.s32 $0x2, s5;
	s10 =	smul.u32 $0x6400, s6  }
0xa: {  	s4 =	sadd.s32 $0x1314800, s7;
	s7 =	sadd.s32 $0x1A00, s7;
	s9 =	sshrl.u32 s8, $0x1  }
0xb: {  	s6 =	smul.u32 $0xC8000, s6;
	s12 =	ssub.s32 s8, s9;
	s31 =	sshrl.u32 s10, $0x3  }
0xc: {  	v1 =	vlaneseq.u32;
	s9 =	sor.u32 $0x100, s10;
	s10 =	sor.u32 $0x180, s10;
	s5 =	sadd.s32 s4, s31  }
0xd: {  	v0 =	vimm.s32 $0x0;
	v1 =	vmul.u32 $0x20, v1;
	s11 =	sor.u32 $0x1000, s6;
	s12 =	smax.u32 s12, $0x1;
	s8 =	sadd.s32 $0x10, s5  }
.LBB2_1:
0xe: {  	[tilespmem:s3], [sflag:$0x1] =	stream.linear.gather [hbm4b:s5+s3], $0x80, $0x38;
	[tilespmem:$0x4100] =	vst v63  }
0xf: {  	_ = 	snop  }
0x10: {  	[tilespmem:s13], [sflag:$0x2] =	stream.linear.gather [hbm4b:s8+s3], $0x80, $0x38;
	[tilespmem:$0x4100] =	vst v63  }
0x11: {  	_ =	swait.ge [sflag:s14], $0x80  }
0x12: {  	[sflag:s14] =	ssyncset.done $0x0  }
0x13: {  	s24 =	simm.s32 $0x0;
	[sflag:s14] =	ssyncadd.s32 $0xFFFFFF80  }
0x14: {  	[tilespmem:s15], [sflag:$0x3] =	stream.indirect.gather [hbm4b:s2+s13], $0x20, s3, s13, $0xb8;
	[tilespmem:$0x4100] =	vst v63  }
.LBB2_2:
0x15: {  	_ =	swait.ge [sflag:s16], $0x80  }
0x16: {  	p0 =	seq.s32 s24, $0x0;
	[sflag:s16] =	ssyncset.done $0x0  }
0x17: {  	s25 =	simm.s32 @!p0 $0x6;
	[sflag:s16] =	ssyncadd.s32 $0xFFFFFF80  }
0x18: {  	_ =	swait.ge @!p0 [sflag:s25], $0x1000  }
0x19: {  	[sflag:s25] =	ssyncset.done @!p0 $0x0  }
0x1a: {  	[sflag:s25] =	ssyncadd.s32 @!p0 $0xFFFFF000;
	p0 =	seq.s32 s24, $0x63  }
0x1b: {  	[tilespmem:s17], [sflag:$0x4] =	stream.indirect.gather [hbm4b:s2+s13], $0x20, s13, s13, $0xb8;
	[tilespmem:$0x4100] =	vst v63  }
0x1c: {  	s25 =	sshll.u32 @!p0 s24, $0x8  }
.Ltmp0:
0x1d: {  	_ =	swait.ge [sflag:s18], $0x1000;
	s25 =	sadd.s32 @!p0 s25, s9;
	(pc) =	sbr.rel .LBB2_3-.Ltmp0, $4  }
0x1e: {  	[sflag:s18] =	ssyncset.done $0x0;
	s25 =	sshrl.u32 @!p0 s25, $0x3  }
0x1f: {  	s26 =	simm.s32 @!p0 $0x0;
	[sflag:s18] =	ssyncadd.s32 $0xFFFFF000;
	s25 =	sadd.s32 @!p0 s4, s25  }
0x20: {  	[tilespmem:s26], [sflag:$0x1] =	stream.linear.gather @!p0 [hbm4b:s25+s26], $0x80, $0x38;
	[tilespmem:$0x4100] =	vst v63  }
0x21: {  	s28 =	simm.s32 $0x0;
	s25 =	sshll.u32 s24, $0xD;
	s26 =	simm.s32 $0x0  }
.LBB2_5:
0x22: {  	s28 =	sadd.s32 $0x10, s28  }
0x23: {  	p0 =	sne.s32 s28, $0x80  }
.Ltmp1:
0x24: {  	_ = 	snop;
	(pc) =	sbr.rel @!p0 .LBB2_6-.Ltmp1, $2  }
0x25: {  	_ =	sdelay $0x2  }
0x26: {  	s26 =	sadd.s32 $0x10, s26  }
.LBB2_3:
0x27: {  	v2 =	vld [tilespmem:s26+$0x0];
	_ =	sdelay $0x4  }
0x28: {  	vm0 =	veq.s32 v2, $0x0  }
0x29: {  	v2 =	vsel vm0, $0x1, v0  }
0x2a: {  	v2 =	vor.u32 $0x80000000, v2  }
0x2b: {  	(xrf0) =	vmax.scan.msk.u32 $0xffff, v2;
	_ =	sdelay $0x5  }
0x2c: {  	v2, _, _ =	vpop (xrf0)  }
0x2d: {  	(v2sf) =	vpush v2, $0xF;
	_ =	sdelay $0xe  }
0x2e: {  	s29 =	spop (v2sf)  }
0x2f: {  	p0 =	slt.u32 s29, $0x80000001  }
.Ltmp2:
0x30: {  	_ = 	snop;
	(pc) =	sbr.rel @p0 .LBB2_5-.Ltmp2, $1  }
0x31: {  	_ =	sdelay $0x3  }
0x32: {  	v2 =	vmov s28  }
0x33: {  	v2 =	vshll.u32 v2, $0x5  }
0x34: {  	v2 =	vor.u32 v1, v2  }
0x35: {  	v3 =	vor.u32 $0x1, v2  }
0x36: {  	v4 =	vor.u32 $0x2, v2  }
0x37: {  	v5 =	vor.u32 $0x3, v2  }
0x38: {  	v6 =	vor.u32 $0x4, v2  }
0x39: {  	v7 =	vor.u32 $0x5, v2;
	[tilespmem:v2+s15+$0x0] =	vst.idx.msk vm0, v0  }
0x3a: {  	[tilespmem:v3+s15+$0x0] =	vst.idx.msk vm0, v0;
	v3 =	vor.u32 $0x6, v2  }
0x3b: {  	v44 =	vor.u32 $0x7, v2;
	[tilespmem:v4+s15+$0x0] =	vst.idx.msk vm0, v0  }
0x3c: {  	v45 =	vor.u32 $0x8, v2;
	[tilespmem:v5+s15+$0x0] =	vst.idx.msk vm0, v0  }
0x3d: {  	v46 =	vor.u32 $0x9, v2;
	[tilespmem:v6+s15+$0x0] =	vst.idx.msk vm0, v0  }
0x3e: {  	v47 =	vor.u32 $0xA, v2;
	[tilespmem:v7+s15+$0x0] =	vst.idx.msk vm0, v0  }
0x3f: {  	[tilespmem:v3+s15+$0x0] =	vst.idx.msk vm0, v0;
	v3 =	vor.u32 $0xB, v2  }
0x40: {  	v48 =	vor.u32 $0xC, v2;
	[tilespmem:v44+s15+$0x0] =	vst.idx.msk vm0, v0  }
0x41: {  	v49 =	vor.u32 $0xD, v2;
	[tilespmem:v45+s15+$0x0] =	vst.idx.msk vm0, v0  }
0x42: {  	v50 =	vor.u32 $0xE, v2;
	[tilespmem:v46+s15+$0x0] =	vst.idx.msk vm0, v0  }
0x43: {  	v51 =	vor.u32 $0xF, v2;
	[tilespmem:v47+s15+$0x0] =	vst.idx.msk vm0, v0  }
0x44: {  	[tilespmem:v3+s15+$0x0] =	vst.idx.msk vm0, v0;
	v3 =	vor.u32 $0x10, v2  }
0x45: {  	v52 =	vor.u32 $0x11, v2;
	[tilespmem:v48+s15+$0x0] =	vst.idx.msk vm0, v0  }
0x46: {  	v53 =	vor.u32 $0x12, v2;
	[tilespmem:v49+s15+$0x0] =	vst.idx.msk vm0, v0  }
0x47: {  	v54 =	vor.u32 $0x13, v2;
	[tilespmem:v50+s15+$0x0] =	vst.idx.msk vm0, v0  }
0x48: {  	v55 =	vor.u32 $0x14, v2;
	[tilespmem:v51+s15+$0x0] =	vst.idx.msk vm0, v0  }
0x49: {  	[tilespmem:v3+s15+$0x0] =	vst.idx.msk vm0, v0;
	v3 =	vor.u32 $0x15, v2  }
0x4a: {  	v56 =	vor.u32 $0x16, v2;
	[tilespmem:v52+s15+$0x0] =	vst.idx.msk vm0, v0  }
0x4b: {  	v57 =	vor.u32 $0x17, v2;
	[tilespmem:v53+s15+$0x0] =	vst.idx.msk vm0, v0  }
0x4c: {  	v58 =	vor.u32 $0x18, v2;
	[tilespmem:v54+s15+$0x0] =	vst.idx.msk vm0, v0  }
0x4d: {  	v59 =	vor.u32 $0x19, v2;
	[tilespmem:v55+s15+$0x0] =	vst.idx.msk vm0, v0  }
0x4e: {  	[tilespmem:v3+s15+$0x0] =	vst.idx.msk vm0, v0;
	v3 =	vor.u32 $0x1A, v2  }
0x4f: {  	v60 =	vor.u32 $0x1B, v2;
	[tilespmem:v56+s15+$0x0] =	vst.idx.msk vm0, v0  }
0x50: {  	v61 =	vor.u32 $0x1C, v2;
	[tilespmem:v57+s15+$0x0] =	vst.idx.msk vm0, v0  }
0x51: {  	v62 =	vor.u32 $0x1D, v2;
	[tilespmem:v58+s15+$0x0] =	vst.idx.msk vm0, v0  }
0x52: {  	v63 =	vor.u32 $0x1E, v2;
	[tilespmem:v59+s15+$0x0] =	vst.idx.msk vm0, v0  }
0x53: {  	v2 =	vor.u32 $0x1F, v2;
	[tilespmem:v3+s15+$0x0] =	vst.idx.msk vm0, v0  }
.Ltmp3:
0x54: {  	[tilespmem:v60+s15+$0x0] =	vst.idx.msk vm0, v0;
	(pc) =	sbr.rel .LBB2_5-.Ltmp3, $4  }
0x55: {  	[tilespmem:v61+s15+$0x0] =	vst.idx.msk vm0, v0  }
0x56: {  	[tilespmem:v62+s15+$0x0] =	vst.idx.msk vm0, v0  }
0x57: {  	[tilespmem:v63+s15+$0x0] =	vst.idx.msk vm0, v0  }
0x58: {  	[tilespmem:v2+s15+$0x0] =	vst.idx.msk vm0, v0  }
.LBB2_6:
0x59: {  	s26 =	simm.s32 $0x0  }
0x5a: {  	v2 =	vld [tilespmem:s26+$0x110]  }
0x5b: {  	s28 =	simm.s32 $0x80;
	v3 =	vld [tilespmem:s26+$0x100]  }
.LBB2_7:
0x5c: {  	p0 =	sne.s32 s28, $0x3F80  }
.Ltmp4:
0x5d: {  	_ = 	snop;
	(pc) =	sbr.rel @p0 .LBB2_7-.Ltmp4, $4  }
0x5e: {  	_ = 	snop  }
0x5f: {  	s29 =	sshra.s32 s28, $0x2;
	s28 =	sadd.s32 $0x80, s28;
	[tilespmem:s26+$0x2110] =	vst v2  }
0x60: {  	v2 =	vld [tilespmem:s29+$0x110];
	[tilespmem:s26+$0x2100] =	vst v3;
	s26 =	smov.u32 s29  }
0x61: {  	v3 =	vld [tilespmem:s26+$0x100]  }
0x62: {  	_ =	sdelay $0x1  }
0x63: {  	s28 =	sadd.s32 s6, s25  }
0x64: {  	p0 =	sne.s32 s24, $0x63;
	s28 =	sshrl.u32 s28, $0x3;
	[tilespmem:s26+$0x2110] =	vst v2  }
0x65: {  	s31 =	sadd.s32 s7, s28;
	[tilespmem:s26+$0x2100] =	vst v3;
	s26 =	simm.s32 @p0 $0x1  }
0x66: {  	[hbm4b:s31+s3] =	stream.linear.scatter [tilespmem:s19], [sflag:$0x5], $0x1000, $0x38;
	[tilespmem:$0x4100] =	vst v63  }
0x67: {  	_ =	swait.ge @p0 [sflag:s26], $0x80  }
0x68: {  	[sflag:s26] =	ssyncset.done @p0 $0x0  }
0x69: {  	[sflag:s26] =	ssyncadd.s32 @p0 $0xFFFFFF80;
	s26 =	simm.s32 @p0 $0x5  }
0x6a: {  	_ =	swait.ge @p0 [sflag:s26], $0x1000  }
0x6b: {  	s29 =	simm.s32 @p0 $0x100;
	[sflag:s26] =	ssyncset.done @p0 $0x0  }
0x6c: {  	s28 =	simm.s32 @p0 $0x0;
	[sflag:s26] =	ssyncadd.s32 @p0 $0xFFFFF000;
	s26 =	simm.s32 @p0 $0x80  }
0x6d: {  	[tilespmem:s29], [sflag:$0x3] =	stream.indirect.gather @p0 [hbm4b:s2+s26], $0x20, s28, s26, $0xb8;
	[tilespmem:$0x4100] =	vst v63  }
0x6e: {  	s30 =	sshll.u32 @p0 s24, $0x8;
	s29 =	simm.s32 @p0 $0x4  }
0x6f: {  	s30 =	sadd.s32 @p0 s30, s10;
	_ =	swait.ge @p0 [sflag:s29], $0x1000  }
0x70: {  	s30 =	sshrl.u32 @p0 s30, $0x3;
	[sflag:s29] =	ssyncset.done @p0 $0x0  }
0x71: {  	[sflag:s29] =	ssyncadd.s32 @p0 $0xFFFFF000;
	s29 =	sadd.s32 @p0 s4, s30  }
0x72: {  	[tilespmem:s26], [sflag:$0x2] =	stream.linear.gather @p0 [hbm4b:s29+s28], $0x80, $0x38;
	[tilespmem:$0x4100] =	vst v63  }
.Ltmp5:
0x73: {  	_ = 	snop;
	(pc) =	sbr.rel .LBB2_9-.Ltmp5, $4  }
0x74: {  	s26 =	simm.s32 @!p0 $0x4  }
0x75: {  	_ =	swait.ge @!p0 [sflag:s26], $0x1000  }
0x76: {  	[sflag:s26] =	ssyncset.done @!p0 $0x0  }
0x77: {  	s28 =	simm.s32 $0x80;
	[sflag:s26] =	ssyncadd.s32 @!p0 $0xFFFFF000;
	s26 =	simm.s32 $0x0  }
.LBB2_11:
0x78: {  	s26 =	sadd.s32 $0x10, s26  }
0x79: {  	p0 =	sne.s32 s26, $0x80  }
.Ltmp6:
0x7a: {  	_ = 	snop;
	(pc) =	sbr.rel @!p0 .LBB2_12-.Ltmp6, $2  }
0x7b: {  	_ =	sdelay $0x2  }
0x7c: {  	s28 =	sadd.s32 $0x10, s28  }
.LBB2_9:
0x7d: {  	v2 =	vld [tilespmem:s28+$0x0];
	_ =	sdelay $0x4  }
0x7e: {  	vm0 =	veq.s32 v2, $0x0  }
0x7f: {  	v2 =	vsel vm0, $0x1, v0  }
0x80: {  	v2 =	vor.u32 $0x80000000, v2  }
0x81: {  	(xrf0) =	vmax.scan.msk.u32 $0xffff, v2;
	_ =	sdelay $0x5  }
0x82: {  	v2, _, _ =	vpop (xrf0)  }
0x83: {  	(v2sf) =	vpush v2, $0xF;
	_ =	sdelay $0xe  }
0x84: {  	s29 =	spop (v2sf)  }
0x85: {  	p0 =	slt.u32 s29, $0x80000001  }
.Ltmp7:
0x86: {  	_ = 	snop;
	(pc) =	sbr.rel @p0 .LBB2_11-.Ltmp7, $1  }
0x87: {  	_ =	sdelay $0x3  }
0x88: {  	v2 =	vmov s26  }
0x89: {  	v2 =	vshll.u32 v2, $0x5  }
0x8a: {  	v2 =	vor.u32 v1, v2  }
0x8b: {  	v3 =	vor.u32 $0x1, v2  }
0x8c: {  	v4 =	vor.u32 $0x2, v2  }
0x8d: {  	v5 =	vor.u32 $0x3, v2  }
0x8e: {  	v6 =	vor.u32 $0x4, v2  }
0x8f: {  	v7 =	vor.u32 $0x5, v2;
	[tilespmem:v2+s17+$0x0] =	vst.idx.msk vm0, v0  }
0x90: {  	[tilespmem:v3+s17+$0x0] =	vst.idx.msk vm0, v0;
	v3 =	vor.u32 $0x6, v2  }
0x91: {  	v44 =	vor.u32 $0x7, v2;
	[tilespmem:v4+s17+$0x0] =	vst.idx.msk vm0, v0  }
0x92: {  	v45 =	vor.u32 $0x8, v2;
	[tilespmem:v5+s17+$0x0] =	vst.idx.msk vm0, v0  }
0x93: {  	v46 =	vor.u32 $0x9, v2;
	[tilespmem:v6+s17+$0x0] =	vst.idx.msk vm0, v0  }
0x94: {  	v47 =	vor.u32 $0xA, v2;
	[tilespmem:v7+s17+$0x0] =	vst.idx.msk vm0, v0  }
0x95: {  	[tilespmem:v3+s17+$0x0] =	vst.idx.msk vm0, v0;
	v3 =	vor.u32 $0xB, v2  }
0x96: {  	v48 =	vor.u32 $0xC, v2;
	[tilespmem:v44+s17+$0x0] =	vst.idx.msk vm0, v0  }
0x97: {  	v49 =	vor.u32 $0xD, v2;
	[tilespmem:v45+s17+$0x0] =	vst.idx.msk vm0, v0  }
0x98: {  	v50 =	vor.u32 $0xE, v2;
	[tilespmem:v46+s17+$0x0] =	vst.idx.msk vm0, v0  }
0x99: {  	v51 =	vor.u32 $0xF, v2;
	[tilespmem:v47+s17+$0x0] =	vst.idx.msk vm0, v0  }
0x9a: {  	[tilespmem:v3+s17+$0x0] =	vst.idx.msk vm0, v0;
	v3 =	vor.u32 $0x10, v2  }
0x9b: {  	v52 =	vor.u32 $0x11, v2;
	[tilespmem:v48+s17+$0x0] =	vst.idx.msk vm0, v0  }
0x9c: {  	v53 =	vor.u32 $0x12, v2;
	[tilespmem:v49+s17+$0x0] =	vst.idx.msk vm0, v0  }
0x9d: {  	v54 =	vor.u32 $0x13, v2;
	[tilespmem:v50+s17+$0x0] =	vst.idx.msk vm0, v0  }
0x9e: {  	v55 =	vor.u32 $0x14, v2;
	[tilespmem:v51+s17+$0x0] =	vst.idx.msk vm0, v0  }
0x9f: {  	[tilespmem:v3+s17+$0x0] =	vst.idx.msk vm0, v0;
	v3 =	vor.u32 $0x15, v2  }
0xa0: {  	v56 =	vor.u32 $0x16, v2;
	[tilespmem:v52+s17+$0x0] =	vst.idx.msk vm0, v0  }
0xa1: {  	v57 =	vor.u32 $0x17, v2;
	[tilespmem:v53+s17+$0x0] =	vst.idx.msk vm0, v0  }
0xa2: {  	v58 =	vor.u32 $0x18, v2;
	[tilespmem:v54+s17+$0x0] =	vst.idx.msk vm0, v0  }
0xa3: {  	v59 =	vor.u32 $0x19, v2;
	[tilespmem:v55+s17+$0x0] =	vst.idx.msk vm0, v0  }
0xa4: {  	[tilespmem:v3+s17+$0x0] =	vst.idx.msk vm0, v0;
	v3 =	vor.u32 $0x1A, v2  }
0xa5: {  	v60 =	vor.u32 $0x1B, v2;
	[tilespmem:v56+s17+$0x0] =	vst.idx.msk vm0, v0  }
0xa6: {  	v61 =	vor.u32 $0x1C, v2;
	[tilespmem:v57+s17+$0x0] =	vst.idx.msk vm0, v0  }
0xa7: {  	v62 =	vor.u32 $0x1D, v2;
	[tilespmem:v58+s17+$0x0] =	vst.idx.msk vm0, v0  }
0xa8: {  	v63 =	vor.u32 $0x1E, v2;
	[tilespmem:v59+s17+$0x0] =	vst.idx.msk vm0, v0  }
0xa9: {  	v2 =	vor.u32 $0x1F, v2;
	[tilespmem:v3+s17+$0x0] =	vst.idx.msk vm0, v0  }
.Ltmp8:
0xaa: {  	[tilespmem:v60+s17+$0x0] =	vst.idx.msk vm0, v0;
	(pc) =	sbr.rel .LBB2_11-.Ltmp8, $4  }
0xab: {  	[tilespmem:v61+s17+$0x0] =	vst.idx.msk vm0, v0  }
0xac: {  	[tilespmem:v62+s17+$0x0] =	vst.idx.msk vm0, v0  }
0xad: {  	[tilespmem:v63+s17+$0x0] =	vst.idx.msk vm0, v0  }
0xae: {  	[tilespmem:v2+s17+$0x0] =	vst.idx.msk vm0, v0  }
.LBB2_12:
0xaf: {  	s26 =	simm.s32 $0x0  }
0xb0: {  	v2 =	vld [tilespmem:s26+$0x1110]  }
0xb1: {  	s28 =	simm.s32 $0x80;
	v3 =	vld [tilespmem:s26+$0x1100]  }
.LBB2_13:
0xb2: {  	p0 =	sne.s32 s28, $0x3F80  }
.Ltmp9:
0xb3: {  	_ = 	snop;
	(pc) =	sbr.rel @p0 .LBB2_13-.Ltmp9, $4  }
0xb4: {  	_ = 	snop  }
0xb5: {  	s29 =	sshra.s32 s28, $0x2;
	s28 =	sadd.s32 $0x80, s28;
	[tilespmem:s26+$0x3110] =	vst v2  }
0xb6: {  	v2 =	vld [tilespmem:s29+$0x1110];
	[tilespmem:s26+$0x3100] =	vst v3;
	s26 =	smov.u32 s29  }
0xb7: {  	v3 =	vld [tilespmem:s26+$0x1100]  }
0xb8: {  	s24 =	sadd.s32 $0x1, s24  }
0xb9: {  	p0 =	sne.s32 s24, $0x64  }
.Ltmp10:
0xba: {  	_ = 	snop;
	(pc) =	sbr.rel @p0 .LBB2_2-.Ltmp10, $4  }
0xbb: {  	s25 =	sadd.s32 s25, s11  }
0xbc: {  	s25 =	sshrl.u32 s25, $0x3;
	[tilespmem:s26+$0x3110] =	vst v2  }
0xbd: {  	s25 =	sadd.s32 s7, s25;
	[tilespmem:s26+$0x3100] =	vst v3  }
0xbe: {  	[hbm4b:s25+s3] =	stream.linear.scatter [tilespmem:s20], [sflag:$0x6], $0x1000, $0x38;
	[tilespmem:$0x4100] =	vst v63  }
0xbf: {  	s23 =	sadd.s32 $0x1, s23  }
0xc0: {  	_ =	swait.ge [sflag:s21], $0x1000;
	p0 =	sne.s32 s23, s12  }
.Ltmp11:
0xc1: {  	[sflag:s21] =	ssyncset.done $0x0;
	(pc) =	sbr.rel @p0 .LBB2_1-.Ltmp11, $4  }
0xc2: {  	[sflag:s21] =	ssyncadd.s32 $0xFFFFF000  }
0xc3: {  	_ =	swait.ge [sflag:s22], $0x1000  }
0xc4: {  	[sflag:s22] =	ssyncset.done $0x0  }
0xc5: {  	[sflag:s22] =	ssyncadd.s32 $0xFFFFF000  }
0xc6: {  	_ =	sfence.sel $0x180000  }
0xc7: {  	[bflag:$0x0] =	sbarrier.arrive $0xFFFF  }
0xc8: {  	p0 =	sne.s32 s0, $0x0;
	_ =	strace $0x9000004A  }
0xc9: {  	s0 =	sadd.s32 @!p0 $0x100000, s1;
	[bflag:$0x2] =	sbarrier.arrive $0xFFFF  }
0xca: {  	[sflag:s0] =	ssyncadd.tile.s32 @!p0 $0x1;
	_ =	shalt  }
.Lfunc_end2:
_tile_overlayer_lowered:
.L_overlay_start_2:
0xcb: {  	(tag) =	ssettag $0x2  }
0xcc: {  	s0 =	rddreg [dreg:$0x0];
	s2 =	stileid.u32  }
0xcd: {  	s1 =	rddreg [dreg:$0x1];
	p0 =	sne.s32 s2, $0x0  }
0xce: {  	s3 =	rddreg [dreg:$0x2];
	[bflag:$0x3] =	sbarrier.arrive $0xFFFF;
	s2 =	simm.s32 @!p0 $0x1C07  }
0xcf: {  	[timem:s3], [sflag:s2] =	dma.local @!p0 [hbm:s0], s1  }
0xd0: {  	s0 =	simm.s32 @!p0 $0x7  }
0xd1: {  	_ =	swait.ge @!p0 [sflag:s0], s1  }
0xd2: {  	s1 =	ssub.s32 @!p0 $0x0, s1;
	[sflag:s0] =	ssyncset.done @!p0 $0x0  }
0xd3: {  	[sflag:s0] =	ssyncadd.s32 @!p0 s1  }
0xd4: {  	[bflag:$0x3] =	sbarrier.arrive $0xFFFF  }
0xd5: {  	_ =	shalt  }

// kernel: sparse-core-data-format-call.1.cloned.1.call-start
scs
called_computation.1_lowered:
.L_overlay_start_0:
0x0: {  	s1 =	sld [smem:$0x3FD9]  }
0x1: {  	s2 =	sld [smem:$0x3FFE];
	_ =	sdelay $0x1  }
0x2: {  	s3 =	srdreg.scid  }
0x3: {  	s0 =	sand.u32 $0x1, s3  }
0x4: {  	s17 =	sshll.u32 s0, $0xA;
	s1 =	sadd.s32 s2, s1  }
0x5: {  	s1 =	sadd.s32 s1, s17  }
0x6: {  	[smem:$0x3FC2] =	sst s1  }
0x7: {  	_ = 	snop  }
0x8: {  	(tm) =	ssettm $0x1  }
0x9: {  	s18 =	sld [smem:$0x3FFB];
	_ =	sdelay $0x3  }
0xa: {  	_ =	strace s18  }
0xb: {  	s1 =	sld [smem:$0x3FFC];
	_ =	sdelay $0x3  }
0xc: {  	_ =	strace s1  }
0xd: {  	s1 =	sld [smem:$0x3FFD];
	_ =	sdelay $0x3  }
0xe: {  	_ =	strace s1  }
0xf: {  	_ =	strace $0x8FFFFFFF  }
0x10: {  	s19 =	sld [smem:$0x3FDB];
	_ =	sdelay $0x1  }
0x11: {  	s20 =	simm.s32 $_scs_section_size  }
0x12: {  	s4 =	simm.s32 $_size__tile_overlayer_lowered;
	s5 =	simm.s32 $_tile_overlayer_lowered  }
0x13: {  	s23 =	simm.s32 $0x1BFF;
	s22 =	sshll.u32 s5, $0x1;
	s1 =	sadd.s32 s20, s19  }
0x14: {  	s6 =	simm.s32 $0x0;
	s21 =	sshll.u32 s4, $0x1;
	s4 =	sadd.s32 s22, s1  }
0x15: {  	[timem:s6], [sflag:s23] =	dma.local [hbm:s4], s21  }
0x16: {  	_ =	swait.ge [sflag:s23], s21  }
0x17: {  	s2 =	ssub.s32 $0x0, s21;
	[sflag:s23] =	ssyncset.done $0x0  }
0x18: {  	[sflag:s23] =	ssyncadd.s32 s2;
	_ =	sdelay $0x1  }
0x19: {  	s24 =	simm.s32 $0x1B8B  }
0x1a: {  	_ =	swait.ge [sflag:s24], $0x1  }
0x1b: {  	[sflag:s24] =	ssyncset.done $0x0  }
0x1c: {  	s26 =	simm.s32 $0x1B8E;
	s25 =	sld [smem:$0x3FFE];
	[sflag:s24] =	ssyncadd.s32 $0xFFFFFFFF  }
0x1d: {  	s27 =	simm.s32 $execute0_lowered;
	[smem:$0x3FD2] =	sst s26  }
0x1e: {  	s4 =	sshll.u32 s27, $0x1;
	_ =	strace $0x80000046;
	[dreg:$0x1] =	wrdreg $0xFFFFFFFF  }
0x1f: {  	s28 =	simm.s32 $_size_execute0_lowered;
	s1 =	sadd.s32 s1, s4;
	[dreg:$0x0] =	wrdreg $0x0  }
0x20: {  	s4 =	sshll.u32 s28, $0x1;
	[dreg:$0x2] =	wrdreg s1  }
0x21: {  	[dreg:$0x3] =	wrdreg s4  }
0x22: {  	[dreg:$0x4] =	wrdreg $0xC0  }
0x23: {  	_ =	task [dreg:s6], $0x5FFFF  }
0x24: {  	[dreg:$0x1] =	wrdreg $0xFFFFFFFF  }
0x25: {  	[dreg:$0x0] =	wrdreg $0x60  }
0x26: {  	[dreg:$0x2] =	wrdreg s25  }
0x27: {  	[dreg:$0x3] =	wrdreg $0x9  }
0x28: {  	_ =	task.clear_ibuf [dreg:s6], $0x4FFFF;
	_ =	strace $0x90000046  }
0x29: {  	s29 =	simm.s32 $0x9;
	_ =	strace $0x80000048  }
0x2a: {  	_ =	swait.ge [sflag:s29], $0x1  }
0x2b: {  	[sflag:s29] =	ssyncadd.s32 $0xFFFFFFFF  }
0x2c: {  	_ =	strace $0x90000048  }
0x2d: {  	_ =	sfence  }
0x2e: {  	s30 =	sld [smem:$0x0];
	_ =	sdelay $0x2  }
0x2f: {  	s31 =	sshll.u32 s3, $0xD;
	s3 =	sshrl.u32 s3, $0x2  }
0x30: {  	s2 =	sand.u32 $0x4000, s31;
	s1 =	sadd.s32 s3, s30  }
0x31: {  	s0 =	sor.u32 s2, s0;
	s1 =	sshll.u32 s1, $0x11  }
0x32: {  	s0 =	sor.u32 s1, s0  }
0x33: {  	s0 =	sadd.s32 $0x8F2B, s0  }
0x34: {  	[sflag:s0] =	ssyncadd.remote.s32 $0x1  }
0x35: {  	_ =	sfence.sel $0xFFFF  }
0x36: {  	[dreg:$0x0] =	wrdreg $0xFFFFFFFF;
	(pc) =	sbr.abs _section_cstart, $3  }
0x37: {  	[dreg:$0x1] =	wrdreg $0xFFFFFFFF  }
0x38: {  	_ =	task.clear_ibuf [dreg:s6], $0x2FFFF;
	_ =	strace $0x9FFFFFFF  }
0x39: {  	(tm) =	ssettm $0x7FFFFFFF  }
tec
execute0_lowered:
.L_overlay_start_1:
0x0: {  	(tag) =	ssettag $0x1  }
0x1: {  	s0 =	srdreg.scid  }
0x2: {  	s5 =	rddreg [dreg:$0x0];
	s1 =	stileid.u32;
	s4 =	simm.s32 $0x1  }
0x3: {  	s6 =	simm.s32 $0x2;
	s15 =	simm.s32 $0x0;
	p0 =	por $0x0, $0x0  }
0x4: {  	s8 =	simm.s32 $0x80;
	s14 =	simm.s32 $0x0;
	s2 =	sshll.u32 s0, $0x4  }
0x5: {  	s9 =	simm.s32 $0x0;
	s10 =	simm.s32 $0x0;
	s2 =	sand.u32 $0x10, s2  }
.Ltmp0:
0x6: {  	s12 =	simm.s32 $0x0;
	s3 =	sor.u32 s1, s2;
	(pc) =	sbr.rel .LBB1_1-.Ltmp0, $4  }
0x7: {  	s0 =	rddreg [dreg:$0x1];
	_ =	strace $0x80000047;
	s3 =	sshll.u32 s3, $0x7  }
0x8: {  	s13 =	simm.s32 $0x0;
	[sflag:s4] =	ssyncpa.u1 $0x0;
	s7 =	ssub.s32 $0xF4200, s3  }
0x9: {  	s2 =	sadd.s32 $0x1A00, s5;
	[sflag:s6] =	ssyncpa.u1 $0x0;
	s6 =	sshrl.u32 s7, $0xC  }
0xa: {  	s5 =	sadd.s32 $0x3D2400, s5;
	s11 =	smov.u32 s3;
	s7 =	sadd.s32 $0x2, s6  }
.LBB1_5:
0xb: {  	p1 =	slt.u32 s13, $0x2  }
0xc: {  	s17 =	smov.u32 s15;
	p2 =	sgt.s32 @!p1 s15, $0xF41C0;
	s16 =	sshra.s32 @!p1 s15, $0x1F  }
0xd: {  	p3 =	sgt.s32 @!p1 s14, $0x60;
	s18 =	sshra.s32 @!p1 s14, $0x1F;
	p2 =	por !p2, p1  }
0xe: {  	s15 =	sand.u32 @!p1 s16, s15;
	p3 =	por !p3, p1;
	s16 =	smov.u32 s14  }
0xf: {  	s14 =	sand.u32 @!p1 s18, s14;
	s17 =	simm.s32 @p2 $0xF41C0;
	s16 =	simm.s32 @p3 $0x60  }
0x10: {  	s15 =	ssub.s32 @!p1 s17, s15;
	s14 =	ssub.s32 @!p1 s16, s14  }
0x11: {  	s18 =	smov.u32 s12;
	s16 =	sadd.s32 @!p1 $0xFFF0BE40, s15;
	s17 =	sadd.s32 @!p1 $0xFFFFFFA0, s14  }
0x12: {  	s15 =	ssub.s32 @!p1 $0xF4240, s15;
	p2 =	sgt.s32 @!p1 s16, $0x7F;
	p3 =	sgt.s32 @!p1 s17, $0x1F  }
0x13: {  	s14 =	ssub.s32 @!p1 $0x80, s14;
	p2 =	por !p2, p1;
	p3 =	por !p3, p1  }
0x14: {  	s16 =	sadd.s32 $0x1000, s11;
	s15 =	simm.s32 @!p2 $0x0;
	s14 =	simm.s32 @!p3 $0x0  }
0x15: {  	p2 =	sgt.s32 s16, $0xF423F;
	s14 =	smul.u32 @!p1 s14, s15;
	s15 =	sadd.s32 $0x20, s12  }
0x16: {  	s18 =	smov.u32 @p2 s15  }
0x17: {  	s16 =	smov.u32 @p2 s3;
	p2 =	sgt.s32 s18, $0x1F  }
0x18: {  	s18 =	simm.s32 @p2 $0x0;
	p2 =	sne.s32 s13, s7  }
.Ltmp1:
0x19: {  	p0 =	por !p0, !p0;
	s17 =	simm.s32 @!p1 $0x2;
	(pc) =	sbr.rel @!p2 .LBB1_6-.Ltmp1, $4  }
0x1a: {  	s15 =	smov.u32 s9;
	s9 =	smov.u32 s11;
	s14 =	sand.u32 @!p1 $0x3FFFFFFF, s14  }
0x1b: {  	s11 =	smov.u32 s16;
	_ =	swait.ge @!p1 [sflag:s17], s14;
	s19 =	ssub.s32 @!p1 $0x0, s14  }
0x1c: {  	s14 =	smov.u32 s10;
	s13 =	sadd.s32 $0x1, s13;
	[sflag:s17] =	ssyncset.done @!p1 $0x0  }
0x1d: {  	s10 =	smov.u32 s12;
	s12 =	smov.u32 s18;
	[sflag:s17] =	ssyncadd.s32 @!p1 s19  }
.LBB1_1:
0x1e: {  	p1 =	sgt.u32 s13, s6  }
0x1f: {  	s16 =	sshrl.u32 @!p1 s12, $0x3  }
0x20: {  	s17 =	sshll.u32 @!p1 s11, $0x3;
	s16 =	smul.u32 @!p1 $0x7A1400, s16  }
0x21: {  	s18 =	sshll.u32 @!p1 s12, $0x7;
	s17 =	sand.u32 @!p1 $0xFFFFFC00, s17  }
0x22: {  	s16 =	sadd.s32 @!p1 s16, s17;
	s17 =	sand.u32 @!p1 $0x380, s18  }
0x23: {  	s18 =	sand.u32 @!p1 $0x7F, s11;
	s16 =	sor.u32 @!p1 s17, s16  }
0x24: {  	s17 =	sor.u32 @!p1 s18, s16  }
0x25: {  	s18 =	smulhi.u32 @!p1 $0x218D6287, s17;
	_ =	sdelay $0x1  }
0x26: {  	s16 =	smulhi.u32 @!p1 $0x218D6287, s16;
	s18 =	sshrl.u32 @!p1 s18, $0x11  }
0x27: {  	s18 =	smul.u32 @!p1 $0xF4280, s18  }
0x28: {  	s19 =	sxor.u32 @!p1 $0xFFFFFFFF, s13;
	s16 =	sshrl.u32 @!p1 s16, $0x11  }
0x29: {  	s19 =	sshll.u32 @!p1 s19, $0xC;
	s16 =	sand.u32 @!p1 $0x1F, s16;
	s17 =	ssub.s32 @!p1 s17, s18  }
0x2a: {  	s16 =	smul.u32 @!p1 $0x1E850, s16;
	s18 =	sshrl.u32 @!p1 s17, $0x3;
	s17 =	sand.u32 @!p1 $0x7, s17  }
0x2b: {  	s19 =	sand.u32 @!p1 $0x1000, s19;
	s18 =	sadd.s32 @!p1 s2, s18;
	s17 =	sshll.u32 @!p1 s17, $0x12  }
0x2c: {  	s16 =	sadd.s32 @!p1 s16, s18;
	s17 =	sor.u32 @!p1 $0x400, s17;
	s18 =	simm.s32 @!p1 $0x7A1400  }
0x2d: {  	[tilespmem:s19], [sflag:$0x1] =	stream.strided.gather @!p1 [hbm4b:s16+s17], $0x1000, s18, s17, $0x38;
	[tilespmem:$0x4100] =	vst v63  }
0x2e: {  	p1 =	seq.s32 s13, $0x0  }
0x2f: {  	p2 =	sge.u32 @!p1 s13, s7  }
0x30: {  	p1 =	por p1, p2  }
.Ltmp2:
0x31: {  	_ = 	snop;
	(pc) =	sbr.rel @p1 .LBB1_5-.Ltmp2, $1  }
0x32: {  	_ =	sdelay $0x3  }
0x33: {  	s16 =	simm.s32 $0x1  }
0x34: {  	_ =	swait.ge [sflag:s4], $0x1000;
	s16 =	simm.s32 @!p0 $0x0  }
0x35: {  	[sflag:s4] =	ssyncset.done $0x0;
	s17 =	sshll.u32 s16, $0xC  }
0x36: {  	[sflag:s4] =	ssyncadd.s32 $0xFFFFF000;
	s17 =	sor.u32 $0x40, s17  }
0x37: {  	s16 =	smul.u32 $0x4200, s16;
	v0 =	vld [tilespmem:s17+$0x30]  }
0x38: {  	v1 =	vld [tilespmem:s17+$0xFFFFFFD0]  }
0x39: {  	s16 =	sshrl.u32 s16, $0x2;
	v5 =	vld [tilespmem:s17+$0xFFFFFFE0]  }
0x3a: {  	v6 =	vld [tilespmem:s17+$0xFFFFFFF0];
	s19 =	sor.u32 $0x2000, s16  }
0x3b: {  	s31 =	sand.u32 $0x1, s13;
	v4 =	vld [tilespmem:s17+$0x0];
	s18 =	sadd.s32 $0x0, s19  }
0x3c: {  	v3 =	vld [tilespmem:s17+$0x10];
	s16 =	smul.u32 $0x4200, s31;
	[tilespmem:s18+$0xE70 ss:$0x21] =	vst.msk $0xffff, v0  }
0x3d: {  	v2 =	vld [tilespmem:s17+$0x20];
	[tilespmem:s18+$0x210 ss:$0x21] =	vst.msk $0xffff, v1  }
0x3e: {  	s16 =	sshrl.u32 s16, $0x2;
	v1 =	vld [tilespmem:s17+$0xFFFFFFC0];
	[tilespmem:s18+$0x420 ss:$0x21] =	vst.msk $0xffff, v5;
	s17 =	sadd.s32 $0x80, s17  }
0x3f: {  	s20 =	simm.s32 $0x4;
	s21 =	simm.s32 $0x8;
	s16 =	sor.u32 $0x2000, s16;
	[tilespmem:s18+$0x630 ss:$0x21] =	vst.msk $0xffff, v6;
	v0 =	vld [tilespmem:s17+$0x30]  }
.LBB1_3:
0x40: {  	p1 =	sne.s32 s21, $0x7C;
	v5 =	vld [tilespmem:s17+$0xFFFFFFD0];
	[tilespmem:s18+$0x840 ss:$0x21] =	vst.msk $0xffff, v4  }
0x41: {  	v6 =	vld [tilespmem:s17+$0xFFFFFFE0];
	[tilespmem:s18+$0xA50 ss:$0x21] =	vst.msk $0xffff, v3  }
0x42: {  	s22 =	sshra.s32 s20, $0x2;
	s20 =	smov.u32 s21;
	v7 =	vld [tilespmem:s17+$0xFFFFFFF0];
	[tilespmem:s18+$0xC60 ss:$0x21] =	vst.msk $0xffff, v2  }
.Ltmp3:
0x43: {  	v4 =	vld [tilespmem:s17+$0x0];
	[tilespmem:s18+$0x0 ss:$0x21] =	vst.msk $0xffff, v1;
	s18 =	sadd.s32 s22, s19;
	(pc) =	sbr.rel @p1 .LBB1_3-.Ltmp3, $4  }
0x44: {  	v3 =	vld [tilespmem:s17+$0x10];
	[tilespmem:s18+$0xE70 ss:$0x21] =	vst.msk $0xffff, v0  }
0x45: {  	[tilespmem:s18+$0x210 ss:$0x21] =	vst.msk $0xffff, v5;
	v2 =	vld [tilespmem:s17+$0x20]  }
0x46: {  	v1 =	vld [tilespmem:s17+$0xFFFFFFC0];
	[tilespmem:s18+$0x420 ss:$0x21] =	vst.msk $0xffff, v6;
	s17 =	sadd.s32 $0x80, s17  }
0x47: {  	s21 =	sadd.s32 $0x4, s21;
	v0 =	vld [tilespmem:s17+$0x30];
	[tilespmem:s18+$0x630 ss:$0x21] =	vst.msk $0xffff, v7  }
0x48: {  	s21 =	sshll.u32 s9, $0x7;
	s22 =	sshll.u32 s10, $0x3;
	s20 =	sshra.s32 s20, $0x2  }
0x49: {  	p1 =	sgt.s32 s9, $0xF41C0;
	s30 =	sshra.s32 s9, $0x1F;
	s25 =	sshra.s32 s10, $0x1F  }
0x4a: {  	v5 =	vld [tilespmem:s17+$0xFFFFFFD0];
	s28 =	sshrl.u32 s10, $0x3;
	s23 =	sand.u32 $0xFFFFFC00, s21;
	s22 =	sand.u32 $0xFFFFFC00, s22  }
0x4b: {  	[tilespmem:s18+$0x840 ss:$0x21] =	vst.msk $0xffff, v4;
	v58 =	vld [tilespmem:s17+$0xFFFFFFE0];
	s21 =	sand.u32 $0x380, s21;
	s19 =	sadd.s32 s20, s19;
	s22 =	sadd.s32 s22, s23  }
0x4c: {  	v59 =	vld [tilespmem:s17+$0xFFFFFFF0];
	[tilespmem:s18+$0xA50 ss:$0x21] =	vst.msk $0xffff, v3;
	s29 =	sor.u32 s21, s22;
	s21 =	smov.u32 s9;
	s22 =	sand.u32 s30, s9  }
0x4d: {  	v60 =	vld [tilespmem:s17+$0x0];
	[tilespmem:s18+$0xC60 ss:$0x21] =	vst.msk $0xffff, v2;
	s30 =	sand.u32 $0x7, s10;
	s20 =	sshrl.u32 s29, $0x7;
	s21 =	simm.s32 @!p1 $0xF41C0  }
0x4e: {  	v61 =	vld [tilespmem:s17+$0x10];
	[tilespmem:s18+$0x0 ss:$0x21] =	vst.msk $0xffff, v1;
	p1 =	sgt.s32 s10, $0x60;
	s24 =	ssub.s32 s21, s22;
	s21 =	smov.u32 s10  }
0x4f: {  	v62 =	vld [tilespmem:s17+$0x20];
	[tilespmem:s19+$0xE70 ss:$0x21] =	vst.msk $0xffff, v0;
	s31 =	smulhi.u32 $0x218DEF5, s20;
	s22 =	sand.u32 s25, s10;
	s21 =	simm.s32 @!p1 $0x60  }
0x50: {  	v63 =	vld [tilespmem:s17+$0xFFFFFFC0];
	[tilespmem:s19+$0x210 ss:$0x21] =	vst.msk $0xffff, v5;
	s26 =	sadd.s32 $0xFFF0BE40, s24;
	s17 =	ssub.s32 $0xF4240, s24;
	s21 =	ssub.s32 s21, s22  }
0x51: {  	[tilespmem:s19+$0x420 ss:$0x21] =	vst.msk $0xffff, v58;
	s23 =	sshrl.u32 s31, $0xD;
	p1 =	sgt.s32 s26, $0x7F;
	s27 =	sadd.s32 $0xFFFFFFA0, s21  }
0x52: {  	[tilespmem:s19+$0x630 ss:$0x21] =	vst.msk $0xffff, v59;
	s23 =	smul.u32 $0xF4240, s23;
	s18 =	ssub.s32 $0x80, s21;
	p2 =	sgt.s32 s27, $0x1F  }
.Ltmp4:
0x53: {  	[tilespmem:s19+$0x840 ss:$0x21] =	vst.msk $0xffff, v60;
	s17 =	simm.s32 @p1 $0x0;
	s18 =	simm.s32 @p2 $0x0;
	(pc) =	sbr.rel .LBB1_5-.Ltmp4, $4  }
0x54: {  	s29 =	sand.u32 $0xF, s28;
	[tilespmem:s19+$0xA50 ss:$0x21] =	vst.msk $0xffff, v61;
	s20 =	ssub.s32 s20, s23;
	s17 =	smul.u32 s18, s17  }
0x55: {  	[tilespmem:s19+$0xC60 ss:$0x21] =	vst.msk $0xffff, v62;
	s21 =	sshll.u32 s30, $0x12;
	s20 =	sshll.u32 s20, $0x4;
	s18 =	sadd.s32 s5, s29  }
0x56: {  	[tilespmem:s19+$0x0 ss:$0x21] =	vst.msk $0xffff, v63;
	s31 =	sor.u32 $0x20, s21;
	s18 =	sadd.s32 s20, s18;
	s17 =	sand.u32 $0x3FFFFFFF, s17  }
0x57: {  	[hbm4b:s18+s31] =	stream.strided.scatter [tilespmem:s16], [sflag:$0x2], s17, s8, s31, $0x10;
	[tilespmem:$0x4100] =	vst v63  }
.LBB1_6:
0x58: {  	_ =	sfence.sel $0x180000  }
0x59: {  	s2 =	simm.s32 $0x1;
	[bflag:$0x0] =	sbarrier.arrive $0xFFFF  }
0x5a: {  	s31 =	simm.s32 $0x2;
	[sflag:s2] =	ssyncpa.u1 $0x1  }
0x5b: {  	[sflag:s31] =	ssyncpa.u1 $0x1  }
0x5c: {  	p0 =	sne.s32 s1, $0x0;
	_ =	strace $0x90000047  }
0x5d: {  	s0 =	sadd.s32 @!p0 $0x100000, s0;
	[bflag:$0x2] =	sbarrier.arrive $0xFFFF  }
0x5e: {  	[sflag:s0] =	ssyncadd.tile.s32 @!p0 $0x1;
	_ =	shalt  }
.Lfunc_end1:
_tile_overlayer_lowered:
.L_overlay_start_2:
0x5f: {  	(tag) =	ssettag $0x2  }
0x60: {  	s0 =	rddreg [dreg:$0x0];
	s2 =	stileid.u32  }
0x61: {  	s1 =	rddreg [dreg:$0x1];
	p0 =	sne.s32 s2, $0x0  }
0x62: {  	s3 =	rddreg [dreg:$0x2];
	[bflag:$0x3] =	sbarrier.arrive $0xFFFF;
	s2 =	simm.s32 @!p0 $0x1C01  }
0x63: {  	[timem:s3], [sflag:s2] =	dma.local @!p0 [hbm:s0], s1  }
0x64: {  	s0 =	simm.s32 @!p0 $0x1  }
0x65: {  	_ =	swait.ge @!p0 [sflag:s0], s1  }
0x66: {  	s1 =	ssub.s32 @!p0 $0x0, s1;
	[sflag:s0] =	ssyncset.done @!p0 $0x0  }
0x67: {  	[sflag:s0] =	ssyncadd.s32 @!p0 s1  }
0x68: {  	[bflag:$0x3] =	sbarrier.arrive $0xFFFF  }
0x69: {  	_ =	shalt  }

// kernel: sparse-core-data-format-call.cloned.1.call-start
scs
called_computation_lowered:
.L_overlay_start_0:
0x0: {  	s2 =	sld [smem:$0x3FD9]  }
0x1: {  	s3 =	sld [smem:$0x3FFE];
	_ =	sdelay $0x1  }
0x2: {  	s1 =	srdreg.scid  }
0x3: {  	s0 =	sand.u32 $0x1, s1  }
0x4: {  	s18 =	sshll.u32 s0, $0xA;
	s2 =	sadd.s32 s3, s2  }
0x5: {  	s2 =	sadd.s32 s2, s18  }
0x6: {  	[smem:$0x3FC2] =	sst s2  }
0x7: {  	_ = 	snop  }
0x8: {  	s2 =	sld [smem:$0x3FD0];
	(tm) =	ssettm $0x1  }
0x9: {  	s19 =	sld [smem:$0x3FFB];
	_ =	sdelay $0x3  }
0xa: {  	_ =	strace s19  }
0xb: {  	s3 =	sld [smem:$0x3FFC];
	_ =	sdelay $0x3  }
0xc: {  	_ =	strace s3  }
0xd: {  	s3 =	sld [smem:$0x3FFD];
	_ =	sdelay $0x3  }
0xe: {  	_ =	strace s3  }
0xf: {  	_ =	strace $0x8FFFFFFF  }
0x10: {  	s20 =	sld [smem:$0x3FDB];
	_ =	sdelay $0x1  }
0x11: {  	s4 =	simm.s32 $_scs_section_size  }
0x12: {  	s5 =	simm.s32 $_size__tile_overlayer_lowered;
	s6 =	simm.s32 $_tile_overlayer_lowered  }
0x13: {  	s23 =	simm.s32 $0x1BFF;
	s22 =	sshll.u32 s6, $0x1;
	s3 =	sadd.s32 s4, s20  }
0x14: {  	s7 =	simm.s32 $0x0;
	s21 =	sshll.u32 s5, $0x1;
	s5 =	sadd.s32 s22, s3  }
0x15: {  	[timem:s7], [sflag:s23] =	dma.local [hbm:s5], s21  }
0x16: {  	_ =	swait.ge [sflag:s23], s21  }
0x17: {  	s4 =	ssub.s32 $0x0, s21;
	[sflag:s23] =	ssyncset.done $0x0  }
0x18: {  	[sflag:s23] =	ssyncadd.s32 s4;
	_ =	sdelay $0x1  }
0x19: {  	s24 =	simm.s32 $0x1B8B  }
0x1a: {  	_ =	swait.ge [sflag:s24], $0x1  }
0x1b: {  	[sflag:s24] =	ssyncset.done $0x0  }
0x1c: {  	s26 =	simm.s32 $0x1B8E;
	s25 =	sld [smem:$0x3FFE];
	[sflag:s24] =	ssyncadd.s32 $0xFFFFFFFF  }
0x1d: {  	s27 =	simm.s32 $execute0_lowered;
	[smem:$0x3FD2] =	sst s26  }
0x1e: {  	s5 =	sshll.u32 s27, $0x1;
	_ =	strace $0x8000004C;
	[dreg:$0x1] =	wrdreg $0xFFFFFFFF  }
0x1f: {  	s28 =	simm.s32 $_size_execute0_lowered;
	s3 =	sadd.s32 s3, s5;
	[dreg:$0x0] =	wrdreg $0x0  }
0x20: {  	s5 =	sshll.u32 s28, $0x1;
	[dreg:$0x2] =	wrdreg s3  }
0x21: {  	[dreg:$0x3] =	wrdreg s5  }
0x22: {  	[dreg:$0x4] =	wrdreg $0xC0  }
0x23: {  	_ =	task [dreg:s7], $0x5FFFF  }
0x24: {  	[dreg:$0x1] =	wrdreg $0xFFFFFFFF  }
0x25: {  	[dreg:$0x0] =	wrdreg $0x60  }
0x26: {  	[dreg:$0x2] =	wrdreg s25  }
0x27: {  	[dreg:$0x3] =	wrdreg s2  }
0x28: {  	[dreg:$0x4] =	wrdreg $0x9  }
0x29: {  	_ =	task.clear_ibuf [dreg:s7], $0x5FFFF;
	_ =	strace $0x9000004C  }
0x2a: {  	s29 =	simm.s32 $0x9;
	_ =	strace $0x8000004E  }
0x2b: {  	_ =	swait.ge [sflag:s29], $0x1  }
0x2c: {  	[sflag:s29] =	ssyncadd.s32 $0xFFFFFFFF  }
0x2d: {  	_ =	strace $0x9000004E  }
0x2e: {  	_ =	sfence  }
0x2f: {  	s30 =	sld [smem:$0x0];
	_ =	sdelay $0x2  }
0x30: {  	s31 =	sshll.u32 s1, $0xD;
	s1 =	sshrl.u32 s1, $0x2  }
0x31: {  	s3 =	sand.u32 $0x4000, s31;
	s1 =	sadd.s32 s1, s30  }
0x32: {  	s0 =	sor.u32 s3, s0;
	s1 =	sshll.u32 s1, $0x11  }
0x33: {  	s0 =	sor.u32 s1, s0  }
0x34: {  	s0 =	sadd.s32 $0x8F2B, s0  }
0x35: {  	[sflag:s0] =	ssyncadd.remote.s32 $0x1  }
0x36: {  	_ =	sfence.sel $0xFFFF  }
0x37: {  	[dreg:$0x0] =	wrdreg $0xFFFFFFFF;
	(pc) =	sbr.abs _section_cstart, $3  }
0x38: {  	[dreg:$0x1] =	wrdreg $0xFFFFFFFF  }
0x39: {  	_ =	task.clear_ibuf [dreg:s7], $0x2FFFF;
	_ =	strace $0x9FFFFFFF  }
0x3a: {  	(tm) =	ssettm $0x7FFFFFFF  }
0x3b: {  	_ =	shalt  }
tec
execute0_lowered:
.L_overlay_start_1:
0x0: {  	(tag) =	ssettag $0x1  }
0x1: {  	s0 =	srdreg.scid  }
0x2: {  	s1 =	sshll.u32 s0, $0x4  }
0x3: {  	s0 =	stileid.u32;
	s1 =	sand.u32 $0x10, s1  }
0x4: {  	s1 =	sor.u32 s0, s1  }
0x5: {  	s6 =	rddreg [dreg:$0x0];
	s4 =	simm.s32 $0x1;
	s2 =	sshll.u32 s1, $0x7  }
0x6: {  	s7 =	simm.s32 $0x2;
	s12 =	simm.s32 $0x0;
	s1 =	ssub.s32 $0x1000, s2  }
0x7: {  	s8 =	simm.s32 $0x8000;
	s13 =	simm.s32 $0x0;
	s3 =	sand.u32 $0xF80, s1  }
0x8: {  	s9 =	simm.s32 $0x0;
	s5 =	sshrl.u32 s1, $0xC;
	p0 =	sne.s32 s3, $0x0  }
.Ltmp0:
0x9: {  	s1 =	rddreg [dreg:$0x2];
	s4 =	simm.s32 @!p0 $0x0;
	(pc) =	sbr.rel .LBB1_1-.Ltmp0, $4  }
0xa: {  	s11 =	simm.s32 $0x0;
	s3 =	rddreg [dreg:$0x1];
	s5 =	sadd.s32 s4, s5  }
0xb: {  	_ =	strace $0x8000004D;
	s4 =	simm.s32 $0x1;
	s5 =	smul.u32 $0xC8, s5  }
0xc: {  	s6 =	sadd.s32 $0xFBBA00, s6;
	s10 =	smov.u32 s2;
	[sflag:s4] =	ssyncpa.u1 $0x0  }
0xd: {  	p0 =	por $0x0, $0x0;
	[sflag:s7] =	ssyncpa.u1 $0x0;
	s7 =	sor.u32 $0x1, s5  }
.LBB1_4:
0xe: {  	s16 =	sshll.u32 s13, $0x3;
	s17 =	sand.u32 $0x78, s13  }
0xf: {  	s30 =	sand.u32 $0x7E00, s13;
	s12 =	sshll.u32 s12, $0xF;
	s16 =	sand.u32 $0xC00, s16  }
0x10: {  	[tilespmem:s15+$0x810 ss:$0x81] =	vst.msk $0xffff, v2;
	s31 =	sand.u32 $0x7, s13;
	s16 =	sor.u32 s17, s16;
	s17 =	sadd.s32 s3, s30  }
0x11: {  	[tilespmem:s15+$0x1020 ss:$0x81] =	vst.msk $0xffff, v0;
	s13 =	sshll.u32 s31, $0x12;
	s12 =	sadd.s32 s12, s17;
	s16 =	sshrl.u32 s16, $0x3  }
0x12: {  	[tilespmem:s15+$0x0 ss:$0x81] =	vst.msk $0xffff, v1;
	s13 =	sor.u32 $0x400, s13;
	s12 =	sadd.s32 s16, s12  }
0x13: {  	[hbm4b:s12+s13] =	stream.strided.scatter [tilespmem:s14], [sflag:$0x2], $0x2000, s8, s13, $0x20;
	[tilespmem:$0x8080] =	vst v63  }
.LBB1_5:
0x14: {  	s14 =	sadd.s32 $0x1, s9  }
0x15: {  	s12 =	sadd.s32 $0x1000, s10;
	s16 =	smov.u32 s10;
	p2 =	sgt.s32 s14, $0xC7  }
0x16: {  	s16 =	smov.u32 @p2 s12  }
0x17: {  	s14 =	simm.s32 @p2 $0x0;
	p2 =	sgt.s32 s16, $0xFFF  }
0x18: {  	s16 =	smov.u32 @p2 s2;
	p2 =	sne.s32 s11, s7  }
.Ltmp1:
0x19: {  	p1 =	slt.u32 s11, $0x2;
	(pc) =	sbr.rel @!p2 .LBB1_6-.Ltmp1, $4  }
0x1a: {  	s15 =	simm.s32 @!p1 $0x2  }
0x1b: {  	s13 =	smov.u32 s10;
	p0 =	por !p0, !p0;
	_ =	swait.ge @!p1 [sflag:s15], $0x2000  }
0x1c: {  	s12 =	smov.u32 s9;
	[sflag:s15] =	ssyncset.done @!p1 $0x0;
	s9 =	smov.u32 s14  }
0x1d: {  	s11 =	sadd.s32 $0x1, s11;
	[sflag:s15] =	ssyncadd.s32 @!p1 $0xFFFFE000;
	s10 =	smov.u32 s16  }
.LBB1_1:
0x1e: {  	p1 =	sge.u32 s11, s5  }
0x1f: {  	s14 =	sand.u32 @!p1 $0x1FFFFFF, s9  }
0x20: {  	s15 =	smulhi.u32 @!p1 $0x147AE15, s14;
	_ =	sdelay $0x1  }
0x21: {  	s15 =	smul.u32 @!p1 $0xC8, s15  }
0x22: {  	s16 =	sxor.u32 @!p1 $0xFFFFFFFF, s11;
	s17 =	smul.u32 @!p1 $0xC80, s10  }
0x23: {  	s31 =	sadd.s32 $0xFFFFFFFF, s11;
	s16 =	sshll.u32 @!p1 s16, $0xD;
	s14 =	ssub.s32 @!p1 s14, s15  }
0x24: {  	s15 =	sand.u32 @!p1 $0x2000, s16;
	s16 =	sadd.s32 @!p1 s6, s17;
	s14 =	sshll.u32 @!p1 s14, $0x4  }
0x25: {  	s17 =	simm.s32 @!p1 $0x6400;
	s14 =	sadd.s32 @!p1 s14, s16;
	s16 =	simm.s32 @!p1 $0x40  }
0x26: {  	[tilespmem:s15], [sflag:$0x1] =	stream.strided.gather @!p1 [hbm4b:s14+s16], $0x2000, s17, s16, $0x38;
	[tilespmem:$0x8080] =	vst v63  }
0x27: {  	p1 =	sge.u32 s31, s5  }
.Ltmp2:
0x28: {  	_ = 	snop;
	(pc) =	sbr.rel @p1 .LBB1_5-.Ltmp2, $1  }
0x29: {  	_ =	sdelay $0x3  }
0x2a: {  	s14 =	simm.s32 $0x1  }
0x2b: {  	_ =	swait.ge [sflag:s4], $0x2000;
	s14 =	simm.s32 @!p0 $0x0  }
0x2c: {  	[sflag:s4] =	ssyncset.done $0x0;
	s15 =	sshll.u32 s14, $0xD  }
0x2d: {  	[sflag:s4] =	ssyncadd.s32 $0xFFFFE000;
	s18 =	sor.u32 $0x20, s15  }
0x2e: {  	s14 =	smul.u32 $0x8100, s14;
	v3 =	vld [tilespmem:s18+$0x10]  }
0x2f: {  	s30 =	sand.u32 $0x1, s11;
	v2 =	vld [tilespmem:s18+$0xFFFFFFF0]  }
0x30: {  	s15 =	smul.u32 $0x8100, s30;
	s14 =	sshrl.u32 s14, $0x2;
	v0 =	vld [tilespmem:s18+$0x0]  }
0x31: {  	v1 =	vld [tilespmem:s18+$0xFFFFFFE0];
	s16 =	sor.u32 $0x4000, s14  }
0x32: {  	s31 =	sshrl.u32 s15, $0x2;
	s15 =	sadd.s32 $0x0, s16  }
0x33: {  	s17 =	simm.s32 $0x4;
	s18 =	sadd.s32 $0x40, s18;
	s14 =	sor.u32 $0x4000, s31;
	[tilespmem:s15+$0x1830 ss:$0x81] =	vst.msk $0xffff, v3  }
.LBB1_3:
0x34: {  	v3 =	vld [tilespmem:s18+$0x10];
	p1 =	sne.s32 s17, $0x1FC;
	[tilespmem:s15+$0x810 ss:$0x81] =	vst.msk $0xffff, v2;
	s19 =	smov.u32 s17;
	s17 =	sadd.s32 $0x4, s17  }
.Ltmp3:
0x35: {  	v2 =	vld [tilespmem:s18+$0xFFFFFFF0];
	[tilespmem:s15+$0x1020 ss:$0x81] =	vst.msk $0xffff, v0;
	(pc) =	sbr.rel @p1 .LBB1_3-.Ltmp3, $4  }
0x36: {  	v0 =	vld [tilespmem:s18+$0x0];
	[tilespmem:s15+$0x0 ss:$0x81] =	vst.msk $0xffff, v1  }
0x37: {  	s15 =	sshra.s32 s19, $0x2;
	v1 =	vld [tilespmem:s18+$0xFFFFFFE0]  }
0x38: {  	s15 =	sadd.s32 s15, s16  }
0x39: {  	s18 =	sadd.s32 $0x40, s18;
	[tilespmem:s15+$0x1830 ss:$0x81] =	vst.msk $0xffff, v3  }
.Ltmp4:
0x3a: {  	_ = 	snop;
	(pc) =	sbr.rel .LBB1_4-.Ltmp4, $1  }
0x3b: {  	_ =	sdelay $0x3  }
.LBB1_6:
0x3c: {  	_ =	sfence.sel $0x180000  }
0x3d: {  	s2 =	simm.s32 $0x1;
	[bflag:$0x0] =	sbarrier.arrive $0xFFFF  }
0x3e: {  	s31 =	simm.s32 $0x2;
	[sflag:s2] =	ssyncpa.u1 $0x1  }
0x3f: {  	[sflag:s31] =	ssyncpa.u1 $0x1  }
0x40: {  	p0 =	sne.s32 s0, $0x0;
	_ =	strace $0x9000004D  }
0x41: {  	s0 =	sadd.s32 @!p0 $0x100000, s1;
	[bflag:$0x2] =	sbarrier.arrive $0xFFFF  }
0x42: {  	[sflag:s0] =	ssyncadd.tile.s32 @!p0 $0x1;
	_ =	shalt  }
.Lfunc_end1:
_tile_overlayer_lowered:
.L_overlay_start_2:
0x43: {  	(tag) =	ssettag $0x2  }
0x44: {  	s0 =	rddreg [dreg:$0x0];
	s2 =	stileid.u32  }
0x45: {  	s1 =	rddreg [dreg:$0x1];
	p0 =	sne.s32 s2, $0x0  }
0x46: {  	s3 =	rddreg [dreg:$0x2];
	[bflag:$0x3] =	sbarrier.arrive $0xFFFF;
	s2 =	simm.s32 @!p0 $0x1C01  }
0x47: {  	[timem:s3], [sflag:s2] =	dma.local @!p0 [hbm:s0], s1  }
0x48: {  	s0 =	simm.s32 @!p0 $0x1  }
0x49: {  	_ =	swait.ge @!p0 [sflag:s0], s1  }
0x4a: {  	s1 =	ssub.s32 @!p0 $0x0, s1;
	[sflag:s0] =	ssyncset.done @!p0 $0x0  }
0x4b: {  	[sflag:s0] =	ssyncadd.s32 @!p0 s1  }
0x4c: {  	[bflag:$0x3] =	sbarrier.arrive $0xFFFF  }
0x4d: {  	_ =	shalt  }

</sc_bundles>
